<compile_context>
chip_gen: v7x
topology: tpu7x:2x2x1
jax: 0.10.2.dev20260603
libtpu: 0.0.44.dev20260713+nightly
codegen_flags: <defaults>
</compile_context>

<pallas_src>
import functools

import jax
import jax.numpy as jnp
from jax import lax
from jax.experimental import pallas as pl
from jax.experimental.pallas import tpu as pltpu
from jax.experimental.pallas import tpu_sc as plsc

LANES = 16


@functools.lru_cache(maxsize=None)
def _make_lookup(batch: int, nfeat: int, vocab: int):
    info = plsc.get_sparse_core_info()
    nw = info.num_cores * info.num_subcores
    cols = batch // nw
    units = cols // LANES
    assert batch % nw == 0 and cols % LANES == 0 and vocab == LANES

    mesh = plsc.VectorSubcoreMesh(core_axis_name="c", subcore_axis_name="s")

    @functools.partial(
        pl.kernel,
        mesh=mesh,
        out_type=jax.ShapeDtypeStruct((nfeat, batch), jnp.float32),
        scratch_types=[
            pltpu.VMEM((nfeat, cols), jnp.int32),
            pltpu.VMEM((nfeat, cols), jnp.float32),
            pltpu.VMEM((vocab, nfeat), jnp.float32),
            pltpu.VMEM((nfeat, vocab), jnp.float32),
            pltpu.SemaphoreType.DMA,
            pltpu.SemaphoreType.DMA,
        ],
        compiler_params=pltpu.CompilerParams(
            needs_layout_passes=False,
            disable_bounds_checks=True,
        ),
    )
    def lookup(
        tok_hbm, tbl_hbm, out_hbm, tok_v, out_v, tblT_v, tbl_v, tsem, sem
    ):
        wid = lax.axis_index("s") * info.num_cores + lax.axis_index("c")
        base = wid * cols
        with jax.named_scope("dma_start"):
            tc = pltpu.make_async_copy(tbl_hbm, tblT_v, tsem)
            tc.start()
            inc = pltpu.make_async_copy(
                tok_hbm.at[:, pl.ds(base, cols)], tok_v, sem
            )
            inc.start()
        with jax.named_scope("dma_tbl"):
            tc.wait()
            vocab_iota = lax.iota(jnp.int32, LANES)
            for f in range(nfeat):
                fvec = jnp.broadcast_to(jnp.int32(f), (LANES,))
                col = plsc.load_gather(tblT_v, [vocab_iota, fvec])
                tbl_v[f, pl.ds(0, LANES)] = col
        with jax.named_scope("dma_in"):
            inc.wait()

        with jax.named_scope("compute"):

            @plsc.parallel_loop(0, nfeat)
            def body(f):
                tbl_row = tbl_v.at[f]
                for c in range(units):
                    o = c * LANES
                    tok = tok_v[f, pl.ds(o, LANES)]
                    vals = plsc.load_gather(tbl_row, [tok])
                    out_v[f, pl.ds(o, LANES)] = vals

        with jax.named_scope("dma_out"):
            pltpu.sync_copy(out_v, out_hbm.at[:, pl.ds(base, cols)])

    return lookup


def kernel(inputs, mapping):
    tok = jnp.swapaxes(inputs.astype(jnp.int32), 0, 1)
    tbl = jnp.swapaxes(mapping.astype(jnp.float32), 0, 1)
    out = _make_lookup(inputs.shape[0], inputs.shape[1], mapping.shape[1])(
        tok, tbl
    )
    return jnp.swapaxes(out, 0, 1)

# --- scband reference (transcript-rebuilt; emitter-appended) ---
"""Pipeline reference for scband-label-encoding-47193100649148 (READ-ONLY COPY).

The authoritative reference and input builder live on the scoring server;
editing this copy changes nothing except your own understanding.
"""

import jax, jax.numpy as jnp
import numpy as np

NUM_FEATURES = 26
VOCAB_SIZE = 16
BATCH = 16384

def setup_inputs(seed: int = 0):
    key = jax.random.key(seed)
    # Each column of `inputs` is a categorical feature whose raw string token has
    # already been mapped to its vocabulary position (the integer view of the
    # string tensor the keras layer receives).
    inputs = jax.random.randint(key, (BATCH, NUM_FEATURES), 0, VOCAB_SIZE)
    # Per-feature StringLookup table: with mask_token=None and num_oov_indices=0,
    # vocabulary[i] -> i, so the mapping row for every feature is arange(VOCAB_SIZE).
    # Stored as float32 because the layer casts lookup outputs to float32.
    mapping = jnp.tile(jnp.arange(VOCAB_SIZE, dtype=jnp.float32), (NUM_FEATURES, 1))
    return {"inputs": inputs, "mapping": mapping}

def reference(inputs, mapping):
    # For each categorical feature column f, run the per-feature lookup
    # label = mapping[f, token_id], cast to float32 (already float), then
    # stack columns in the original feature order (keep_features_order=True)
    # and transpose back to [batch, num_features].
    feat_ids = jnp.arange(NUM_FEATURES)[None, :]  # [1, F]
    encoded = mapping[feat_ids, inputs]           # gather: [B, F] float32
    return encoded

if __name__ == "__main__":
    import jax
    _d = setup_inputs()
    print(jax.jit(kernel)(*tuple(_d.values())))

</pallas_src>

<mosaic_0001>
#map = affine_map<(d0, d1) -> (0, 0)>
module attributes {stable_mosaic.version = 14 : i64} {
  func.func @lookup(%arg0: i32, %arg1: i32, %arg2: memref<26x16384xi32, #tpu.memory_space<hbm>>, %arg3: memref<16x26xf32, #tpu.memory_space<hbm>>, %arg4: memref<26x16384xf32, #tpu.memory_space<hbm>>, %arg5: memref<26x512xi32, #tpu.memory_space<vmem>>, %arg6: memref<26x512xf32, #tpu.memory_space<vmem>>, %arg7: memref<16x26xf32, #tpu.memory_space<vmem>>, %arg8: memref<26x16xf32, #tpu.memory_space<vmem>>, %arg9: memref<!tpu.dma_semaphore, #tpu.memory_space<semaphore_mem>>, %arg10: memref<!tpu.dma_semaphore, #tpu.memory_space<semaphore_mem>>) attributes {dimension_semantics = [#tpu.dimension_semantics<core_parallel>, #tpu.dimension_semantics<subcore_parallel>], iteration_bounds = array<i64: 2, 16>, scalar_prefetch = 0 : i64, scratch_operands = 6 : i64, tpu.core_type = #tpu.core_type<sc_vector_subcore>, window_params = [{transform_indices = #map}, {transform_indices = #map}, {transform_indices = #map}]} {
    %mul3A = arith.constant 2 : i32
    %mul3A_0 = arith.muli %arg1, %mul3A : i32
    %add3A = arith.addi %mul3A_0, %arg0 : i32
    %mul3A_1 = arith.constant 512 : i32
    %mul3A_2 = arith.muli %add3A, %mul3A_1 : i32
    "tpu.trace_start"() <{level = 10 : i32, message = "dma_start"}> : () -> ()
    tpu.enqueue_dma source(%arg3 : memref<16x26xf32, #tpu.memory_space<hbm>>) target(%arg7 : memref<16x26xf32, #tpu.memory_space<vmem>>) target_semaphore(%arg9 : memref<!tpu.dma_semaphore, #tpu.memory_space<semaphore_mem>>)
    %dma_start3A = arith.constant 0 : i32
    %dma_start3A_3 = tpu.memref_slice %arg2[%dma_start3A, %mul3A_2] : memref<26x16384xi32, #tpu.memory_space<hbm>> -> memref<26x512xi32, #tpu.memory_space<hbm>>
    %dma_start3A_4 = arith.constant 0 : i32
    %dma_start3A_5 = tpu.memref_slice %arg2[%dma_start3A_4, %mul3A_2] : memref<26x16384xi32, #tpu.memory_space<hbm>> -> memref<26x512xi32, #tpu.memory_space<hbm>>
    tpu.enqueue_dma source(%dma_start3A_5 : memref<26x512xi32, #tpu.memory_space<hbm>>) target(%arg5 : memref<26x512xi32, #tpu.memory_space<vmem>>) target_semaphore(%arg10 : memref<!tpu.dma_semaphore, #tpu.memory_space<semaphore_mem>>)
    "tpu.trace_stop"() : () -> ()
    "tpu.trace_start"() <{level = 10 : i32, message = "dma_tbl"}> : () -> ()
    tpu.wait_dma2 semaphore(%arg9 : memref<!tpu.dma_semaphore, #tpu.memory_space<semaphore_mem>>) src(%arg3 : memref<16x26xf32, #tpu.memory_space<hbm>>) dst(%arg7 : memref<16x26xf32, #tpu.memory_space<vmem>>)
    %iota3A = tpu.iota {dimensions = array<i32: 0>} : vector<16xi32>
    %broadcast_in_dim3A = arith.constant 0 : i32
    %broadcast_in_dim3A_6 = vector.broadcast %broadcast_in_dim3A : i32 to vector<16xi32>
    %gather3A = tpu.vector_load_idx %arg7[%iota3A, %broadcast_in_dim3A_6] : memref<16x26xf32, #tpu.memory_space<vmem>>[vector<16xi32>, vector<16xi32>], vector<16xf32>,
    %swap3A = arith.constant 0 : i32
    %swap3A_7 = arith.index_cast %swap3A : i32 to index
    %swap3A_8 = arith.constant 0 : index
    %swap3A_9 = tpu.vector_load %arg8[%swap3A_7, %swap3A_8] {strides = array<i32>} : memref<26x16xf32, #tpu.memory_space<vmem>>, vector<16xf32>,
    tpu.vector_store %arg8[%swap3A_7, %swap3A_8], %gather3A {strides = array<i32>} : memref<26x16xf32, #tpu.memory_space<vmem>>, vector<16xf32>,
    %broadcast_in_dim3A_10 = arith.constant 1 : i32
    %broadcast_in_dim3A_11 = vector.broadcast %broadcast_in_dim3A_10 : i32 to vector<16xi32>
    %gather3A_12 = tpu.vector_load_idx %arg7[%iota3A, %broadcast_in_dim3A_11] : memref<16x26xf32, #tpu.memory_space<vmem>>[vector<16xi32>, vector<16xi32>], vector<16xf32>,
    %swap3A_13 = arith.constant 1 : i32
    %swap3A_14 = arith.index_cast %swap3A_13 : i32 to index
    %swap3A_15 = arith.constant 0 : index
    %swap3A_16 = tpu.vector_load %arg8[%swap3A_14, %swap3A_15] {strides = array<i32>} : memref<26x16xf32, #tpu.memory_space<vmem>>, vector<16xf32>,
    tpu.vector_store %arg8[%swap3A_14, %swap3A_15], %gather3A_12 {strides = array<i32>} : memref<26x16xf32, #tpu.memory_space<vmem>>, vector<16xf32>,
    %broadcast_in_dim3A_17 = arith.constant 2 : i32
    %broadcast_in_dim3A_18 = vector.broadcast %broadcast_in_dim3A_17 : i32 to vector<16xi32>
    %gather3A_19 = tpu.vector_load_idx %arg7[%iota3A, %broadcast_in_dim3A_18] : memref<16x26xf32, #tpu.memory_space<vmem>>[vector<16xi32>, vector<16xi32>], vector<16xf32>,
    %swap3A_20 = arith.constant 2 : i32
    %swap3A_21 = arith.index_cast %swap3A_20 : i32 to index
    %swap3A_22 = arith.constant 0 : index
    %swap3A_23 = tpu.vector_load %arg8[%swap3A_21, %swap3A_22] {strides = array<i32>} : memref<26x16xf32, #tpu.memory_space<vmem>>, vector<16xf32>,
    tpu.vector_store %arg8[%swap3A_21, %swap3A_22], %gather3A_19 {strides = array<i32>} : memref<26x16xf32, #tpu.memory_space<vmem>>, vector<16xf32>,
    %broadcast_in_dim3A_24 = arith.constant 3 : i32
    %broadcast_in_dim3A_25 = vector.broadcast %broadcast_in_dim3A_24 : i32 to vector<16xi32>
    %gather3A_26 = tpu.vector_load_idx %arg7[%iota3A, %broadcast_in_dim3A_25] : memref<16x26xf32, #tpu.memory_space<vmem>>[vector<16xi32>, vector<16xi32>], vector<16xf32>,
    %swap3A_27 = arith.constant 3 : i32
    %swap3A_28 = arith.index_cast %swap3A_27 : i32 to index
    %swap3A_29 = arith.constant 0 : index
    %swap3A_30 = tpu.vector_load %arg8[%swap3A_28, %swap3A_29] {strides = array<i32>} : memref<26x16xf32, #tpu.memory_space<vmem>>, vector<16xf32>,
    tpu.vector_store %arg8[%swap3A_28, %swap3A_29], %gather3A_26 {strides = array<i32>} : memref<26x16xf32, #tpu.memory_space<vmem>>, vector<16xf32>,
    %broadcast_in_dim3A_31 = arith.constant 4 : i32
    %broadcast_in_dim3A_32 = vector.broadcast %broadcast_in_dim3A_31 : i32 to vector<16xi32>
    %gather3A_33 = tpu.vector_load_idx %arg7[%iota3A, %broadcast_in_dim3A_32] : memref<16x26xf32, #tpu.memory_space<vmem>>[vector<16xi32>, vector<16xi32>], vector<16xf32>,
    %swap3A_34 = arith.constant 4 : i32
    %swap3A_35 = arith.index_cast %swap3A_34 : i32 to index
    %swap3A_36 = arith.constant 0 : index
    %swap3A_37 = tpu.vector_load %arg8[%swap3A_35, %swap3A_36] {strides = array<i32>} : memref<26x16xf32, #tpu.memory_space<vmem>>, vector<16xf32>,
    tpu.vector_store %arg8[%swap3A_35, %swap3A_36], %gather3A_33 {strides = array<i32>} : memref<26x16xf32, #tpu.memory_space<vmem>>, vector<16xf32>,
    %broadcast_in_dim3A_38 = arith.constant 5 : i32
    %broadcast_in_dim3A_39 = vector.broadcast %broadcast_in_dim3A_38 : i32 to vector<16xi32>
    %gather3A_40 = tpu.vector_load_idx %arg7[%iota3A, %broadcast_in_dim3A_39] : memref<16x26xf32, #tpu.memory_space<vmem>>[vector<16xi32>, vector<16xi32>], vector<16xf32>,
    %swap3A_41 = arith.constant 5 : i32
    %swap3A_42 = arith.index_cast %swap3A_41 : i32 to index
    %swap3A_43 = arith.constant 0 : index
    %swap3A_44 = tpu.vector_load %arg8[%swap3A_42, %swap3A_43] {strides = array<i32>} : memref<26x16xf32, #tpu.memory_space<vmem>>, vector<16xf32>,
    tpu.vector_store %arg8[%swap3A_42, %swap3A_43], %gather3A_40 {strides = array<i32>} : memref<26x16xf32, #tpu.memory_space<vmem>>, vector<16xf32>,
    %broadcast_in_dim3A_45 = arith.constant 6 : i32
    %broadcast_in_dim3A_46 = vector.broadcast %broadcast_in_dim3A_45 : i32 to vector<16xi32>
    %gather3A_47 = tpu.vector_load_idx %arg7[%iota3A, %broadcast_in_dim3A_46] : memref<16x26xf32, #tpu.memory_space<vmem>>[vector<16xi32>, vector<16xi32>], vector<16xf32>,
    %swap3A_48 = arith.constant 6 : i32
    %swap3A_49 = arith.index_cast %swap3A_48 : i32 to index
    %swap3A_50 = arith.constant 0 : index
    %swap3A_51 = tpu.vector_load %arg8[%swap3A_49, %swap3A_50] {strides = array<i32>} : memref<26x16xf32, #tpu.memory_space<vmem>>, vector<16xf32>,
    tpu.vector_store %arg8[%swap3A_49, %swap3A_50], %gather3A_47 {strides = array<i32>} : memref<26x16xf32, #tpu.memory_space<vmem>>, vector<16xf32>,
    %broadcast_in_dim3A_52 = arith.constant 7 : i32
    %broadcast_in_dim3A_53 = vector.broadcast %broadcast_in_dim3A_52 : i32 to vector<16xi32>
    %gather3A_54 = tpu.vector_load_idx %arg7[%iota3A, %broadcast_in_dim3A_53] : memref<16x26xf32, #tpu.memory_space<vmem>>[vector<16xi32>, vector<16xi32>], vector<16xf32>,
    %swap3A_55 = arith.constant 7 : i32
    %swap3A_56 = arith.index_cast %swap3A_55 : i32 to index
    %swap3A_57 = arith.constant 0 : index
    %swap3A_58 = tpu.vector_load %arg8[%swap3A_56, %swap3A_57] {strides = array<i32>} : memref<26x16xf32, #tpu.memory_space<vmem>>, vector<16xf32>,
    tpu.vector_store %arg8[%swap3A_56, %swap3A_57], %gather3A_54 {strides = array<i32>} : memref<26x16xf32, #tpu.memory_space<vmem>>, vector<16xf32>,
    %broadcast_in_dim3A_59 = arith.constant 8 : i32
    %broadcast_in_dim3A_60 = vector.broadcast %broadcast_in_dim3A_59 : i32 to vector<16xi32>
    %gather3A_61 = tpu.vector_load_idx %arg7[%iota3A, %broadcast_in_dim3A_60] : memref<16x26xf32, #tpu.memory_space<vmem>>[vector<16xi32>, vector<16xi32>], vector<16xf32>,
    %swap3A_62 = arith.constant 8 : i32
    %swap3A_63 = arith.index_cast %swap3A_62 : i32 to index
    %swap3A_64 = arith.constant 0 : index
    %swap3A_65 = tpu.vector_load %arg8[%swap3A_63, %swap3A_64] {strides = array<i32>} : memref<26x16xf32, #tpu.memory_space<vmem>>, vector<16xf32>,
    tpu.vector_store %arg8[%swap3A_63, %swap3A_64], %gather3A_61 {strides = array<i32>} : memref<26x16xf32, #tpu.memory_space<vmem>>, vector<16xf32>,
    %broadcast_in_dim3A_66 = arith.constant 9 : i32
    %broadcast_in_dim3A_67 = vector.broadcast %broadcast_in_dim3A_66 : i32 to vector<16xi32>
    %gather3A_68 = tpu.vector_load_idx %arg7[%iota3A, %broadcast_in_dim3A_67] : memref<16x26xf32, #tpu.memory_space<vmem>>[vector<16xi32>, vector<16xi32>], vector<16xf32>,
    %swap3A_69 = arith.constant 9 : i32
    %swap3A_70 = arith.index_cast %swap3A_69 : i32 to index
    %swap3A_71 = arith.constant 0 : index
    %swap3A_72 = tpu.vector_load %arg8[%swap3A_70, %swap3A_71] {strides = array<i32>} : memref<26x16xf32, #tpu.memory_space<vmem>>, vector<16xf32>,
    tpu.vector_store %arg8[%swap3A_70, %swap3A_71], %gather3A_68 {strides = array<i32>} : memref<26x16xf32, #tpu.memory_space<vmem>>, vector<16xf32>,
    %broadcast_in_dim3A_73 = arith.constant 10 : i32
    %broadcast_in_dim3A_74 = vector.broadcast %broadcast_in_dim3A_73 : i32 to vector<16xi32>
    %gather3A_75 = tpu.vector_load_idx %arg7[%iota3A, %broadcast_in_dim3A_74] : memref<16x26xf32, #tpu.memory_space<vmem>>[vector<16xi32>, vector<16xi32>], vector<16xf32>,
    %swap3A_76 = arith.constant 10 : i32
    %swap3A_77 = arith.index_cast %swap3A_76 : i32 to index
    %swap3A_78 = arith.constant 0 : index
    %swap3A_79 = tpu.vector_load %arg8[%swap3A_77, %swap3A_78] {strides = array<i32>} : memref<26x16xf32, #tpu.memory_space<vmem>>, vector<16xf32>,
    tpu.vector_store %arg8[%swap3A_77, %swap3A_78], %gather3A_75 {strides = array<i32>} : memref<26x16xf32, #tpu.memory_space<vmem>>, vector<16xf32>,
    %broadcast_in_dim3A_80 = arith.constant 11 : i32
    %broadcast_in_dim3A_81 = vector.broadcast %broadcast_in_dim3A_80 : i32 to vector<16xi32>
    %gather3A_82 = tpu.vector_load_idx %arg7[%iota3A, %broadcast_in_dim3A_81] : memref<16x26xf32, #tpu.memory_space<vmem>>[vector<16xi32>, vector<16xi32>], vector<16xf32>,
    %swap3A_83 = arith.constant 11 : i32
    %swap3A_84 = arith.index_cast %swap3A_83 : i32 to index
    %swap3A_85 = arith.constant 0 : index
    %swap3A_86 = tpu.vector_load %arg8[%swap3A_84, %swap3A_85] {strides = array<i32>} : memref<26x16xf32, #tpu.memory_space<vmem>>, vector<16xf32>,
    tpu.vector_store %arg8[%swap3A_84, %swap3A_85], %gather3A_82 {strides = array<i32>} : memref<26x16xf32, #tpu.memory_space<vmem>>, vector<16xf32>,
    %broadcast_in_dim3A_87 = arith.constant 12 : i32
    %broadcast_in_dim3A_88 = vector.broadcast %broadcast_in_dim3A_87 : i32 to vector<16xi32>
    %gather3A_89 = tpu.vector_load_idx %arg7[%iota3A, %broadcast_in_dim3A_88] : memref<16x26xf32, #tpu.memory_space<vmem>>[vector<16xi32>, vector<16xi32>], vector<16xf32>,
    %swap3A_90 = arith.constant 12 : i32
    %swap3A_91 = arith.index_cast %swap3A_90 : i32 to index
    %swap3A_92 = arith.constant 0 : index
    %swap3A_93 = tpu.vector_load %arg8[%swap3A_91, %swap3A_92] {strides = array<i32>} : memref<26x16xf32, #tpu.memory_space<vmem>>, vector<16xf32>,
    tpu.vector_store %arg8[%swap3A_91, %swap3A_92], %gather3A_89 {strides = array<i32>} : memref<26x16xf32, #tpu.memory_space<vmem>>, vector<16xf32>,
    %broadcast_in_dim3A_94 = arith.constant 13 : i32
    %broadcast_in_dim3A_95 = vector.broadcast %broadcast_in_dim3A_94 : i32 to vector<16xi32>
    %gather3A_96 = tpu.vector_load_idx %arg7[%iota3A, %broadcast_in_dim3A_95] : memref<16x26xf32, #tpu.memory_space<vmem>>[vector<16xi32>, vector<16xi32>], vector<16xf32>,
    %swap3A_97 = arith.constant 13 : i32
    %swap3A_98 = arith.index_cast %swap3A_97 : i32 to index
    %swap3A_99 = arith.constant 0 : index
    %swap3A_100 = tpu.vector_load %arg8[%swap3A_98, %swap3A_99] {strides = array<i32>} : memref<26x16xf32, #tpu.memory_space<vmem>>, vector<16xf32>,
    tpu.vector_store %arg8[%swap3A_98, %swap3A_99], %gather3A_96 {strides = array<i32>} : memref<26x16xf32, #tpu.memory_space<vmem>>, vector<16xf32>,
    %broadcast_in_dim3A_101 = arith.constant 14 : i32
    %broadcast_in_dim3A_102 = vector.broadcast %broadcast_in_dim3A_101 : i32 to vector<16xi32>
    %gather3A_103 = tpu.vector_load_idx %arg7[%iota3A, %broadcast_in_dim3A_102] : memref<16x26xf32, #tpu.memory_space<vmem>>[vector<16xi32>, vector<16xi32>], vector<16xf32>,
    %swap3A_104 = arith.constant 14 : i32
    %swap3A_105 = arith.index_cast %swap3A_104 : i32 to index
    %swap3A_106 = arith.constant 0 : index
    %swap3A_107 = tpu.vector_load %arg8[%swap3A_105, %swap3A_106] {strides = array<i32>} : memref<26x16xf32, #tpu.memory_space<vmem>>, vector<16xf32>,
    tpu.vector_store %arg8[%swap3A_105, %swap3A_106], %gather3A_103 {strides = array<i32>} : memref<26x16xf32, #tpu.memory_space<vmem>>, vector<16xf32>,
    %broadcast_in_dim3A_108 = arith.constant 15 : i32
    %broadcast_in_dim3A_109 = vector.broadcast %broadcast_in_dim3A_108 : i32 to vector<16xi32>
    %gather3A_110 = tpu.vector_load_idx %arg7[%iota3A, %broadcast_in_dim3A_109] : memref<16x26xf32, #tpu.memory_space<vmem>>[vector<16xi32>, vector<16xi32>], vector<16xf32>,
    %swap3A_111 = arith.constant 15 : i32
    %swap3A_112 = arith.index_cast %swap3A_111 : i32 to index
    %swap3A_113 = arith.constant 0 : index
    %swap3A_114 = tpu.vector_load %arg8[%swap3A_112, %swap3A_113] {strides = array<i32>} : memref<26x16xf32, #tpu.memory_space<vmem>>, vector<16xf32>,
    tpu.vector_store %arg8[%swap3A_112, %swap3A_113], %gather3A_110 {strides = array<i32>} : memref<26x16xf32, #tpu.memory_space<vmem>>, vector<16xf32>,
    %broadcast_in_dim3A_115 = arith.constant 16 : i32
    %broadcast_in_dim3A_116 = vector.broadcast %broadcast_in_dim3A_115 : i32 to vector<16xi32>
    %gather3A_117 = tpu.vector_load_idx %arg7[%iota3A, %broadcast_in_dim3A_116] : memref<16x26xf32, #tpu.memory_space<vmem>>[vector<16xi32>, vector<16xi32>], vector<16xf32>,
    %swap3A_118 = arith.constant 16 : i32
    %swap3A_119 = arith.index_cast %swap3A_118 : i32 to index
    %swap3A_120 = arith.constant 0 : index
    %swap3A_121 = tpu.vector_load %arg8[%swap3A_119, %swap3A_120] {strides = array<i32>} : memref<26x16xf32, #tpu.memory_space<vmem>>, vector<16xf32>,
    tpu.vector_store %arg8[%swap3A_119, %swap3A_120], %gather3A_117 {strides = array<i32>} : memref<26x16xf32, #tpu.memory_space<vmem>>, vector<16xf32>,
    %broadcast_in_dim3A_122 = arith.constant 17 : i32
    %broadcast_in_dim3A_123 = vector.broadcast %broadcast_in_dim3A_122 : i32 to vector<16xi32>
    %gather3A_124 = tpu.vector_load_idx %arg7[%iota3A, %broadcast_in_dim3A_123] : memref<16x26xf32, #tpu.memory_space<vmem>>[vector<16xi32>, vector<16xi32>], vector<16xf32>,
    %swap3A_125 = arith.constant 17 : i32
    %swap3A_126 = arith.index_cast %swap3A_125 : i32 to index
    %swap3A_127 = arith.constant 0 : index
    %swap3A_128 = tpu.vector_load %arg8[%swap3A_126, %swap3A_127] {strides = array<i32>} : memref<26x16xf32, #tpu.memory_space<vmem>>, vector<16xf32>,
    tpu.vector_store %arg8[%swap3A_126, %swap3A_127], %gather3A_124 {strides = array<i32>} : memref<26x16xf32, #tpu.memory_space<vmem>>, vector<16xf32>,
    %broadcast_in_dim3A_129 = arith.constant 18 : i32
    %broadcast_in_dim3A_130 = vector.broadcast %broadcast_in_dim3A_129 : i32 to vector<16xi32>
    %gather3A_131 = tpu.vector_load_idx %arg7[%iota3A, %broadcast_in_dim3A_130] : memref<16x26xf32, #tpu.memory_space<vmem>>[vector<16xi32>, vector<16xi32>], vector<16xf32>,
    %swap3A_132 = arith.constant 18 : i32
    %swap3A_133 = arith.index_cast %swap3A_132 : i32 to index
    %swap3A_134 = arith.constant 0 : index
    %swap3A_135 = tpu.vector_load %arg8[%swap3A_133, %swap3A_134] {strides = array<i32>} : memref<26x16xf32, #tpu.memory_space<vmem>>, vector<16xf32>,
    tpu.vector_store %arg8[%swap3A_133, %swap3A_134], %gather3A_131 {strides = array<i32>} : memref<26x16xf32, #tpu.memory_space<vmem>>, vector<16xf32>,
    %broadcast_in_dim3A_136 = arith.constant 19 : i32
    %broadcast_in_dim3A_137 = vector.broadcast %broadcast_in_dim3A_136 : i32 to vector<16xi32>
    %gather3A_138 = tpu.vector_load_idx %arg7[%iota3A, %broadcast_in_dim3A_137] : memref<16x26xf32, #tpu.memory_space<vmem>>[vector<16xi32>, vector<16xi32>], vector<16xf32>,
    %swap3A_139 = arith.constant 19 : i32
    %swap3A_140 = arith.index_cast %swap3A_139 : i32 to index
    %swap3A_141 = arith.constant 0 : index
    %swap3A_142 = tpu.vector_load %arg8[%swap3A_140, %swap3A_141] {strides = array<i32>} : memref<26x16xf32, #tpu.memory_space<vmem>>, vector<16xf32>,
    tpu.vector_store %arg8[%swap3A_140, %swap3A_141], %gather3A_138 {strides = array<i32>} : memref<26x16xf32, #tpu.memory_space<vmem>>, vector<16xf32>,
    %broadcast_in_dim3A_143 = arith.constant 20 : i32
    %broadcast_in_dim3A_144 = vector.broadcast %broadcast_in_dim3A_143 : i32 to vector<16xi32>
    %gather3A_145 = tpu.vector_load_idx %arg7[%iota3A, %broadcast_in_dim3A_144] : memref<16x26xf32, #tpu.memory_space<vmem>>[vector<16xi32>, vector<16xi32>], vector<16xf32>,
    %swap3A_146 = arith.constant 20 : i32
    %swap3A_147 = arith.index_cast %swap3A_146 : i32 to index
    %swap3A_148 = arith.constant 0 : index
    %swap3A_149 = tpu.vector_load %arg8[%swap3A_147, %swap3A_148] {strides = array<i32>} : memref<26x16xf32, #tpu.memory_space<vmem>>, vector<16xf32>,
    tpu.vector_store %arg8[%swap3A_147, %swap3A_148], %gather3A_145 {strides = array<i32>} : memref<26x16xf32, #tpu.memory_space<vmem>>, vector<16xf32>,
    %broadcast_in_dim3A_150 = arith.constant 21 : i32
    %broadcast_in_dim3A_151 = vector.broadcast %broadcast_in_dim3A_150 : i32 to vector<16xi32>
    %gather3A_152 = tpu.vector_load_idx %arg7[%iota3A, %broadcast_in_dim3A_151] : memref<16x26xf32, #tpu.memory_space<vmem>>[vector<16xi32>, vector<16xi32>], vector<16xf32>,
    %swap3A_153 = arith.constant 21 : i32
    %swap3A_154 = arith.index_cast %swap3A_153 : i32 to index
    %swap3A_155 = arith.constant 0 : index
    %swap3A_156 = tpu.vector_load %arg8[%swap3A_154, %swap3A_155] {strides = array<i32>} : memref<26x16xf32, #tpu.memory_space<vmem>>, vector<16xf32>,
    tpu.vector_store %arg8[%swap3A_154, %swap3A_155], %gather3A_152 {strides = array<i32>} : memref<26x16xf32, #tpu.memory_space<vmem>>, vector<16xf32>,
    %broadcast_in_dim3A_157 = arith.constant 22 : i32
    %broadcast_in_dim3A_158 = vector.broadcast %broadcast_in_dim3A_157 : i32 to vector<16xi32>
    %gather3A_159 = tpu.vector_load_idx %arg7[%iota3A, %broadcast_in_dim3A_158] : memref<16x26xf32, #tpu.memory_space<vmem>>[vector<16xi32>, vector<16xi32>], vector<16xf32>,
    %swap3A_160 = arith.constant 22 : i32
    %swap3A_161 = arith.index_cast %swap3A_160 : i32 to index
    %swap3A_162 = arith.constant 0 : index
    %swap3A_163 = tpu.vector_load %arg8[%swap3A_161, %swap3A_162] {strides = array<i32>} : memref<26x16xf32, #tpu.memory_space<vmem>>, vector<16xf32>,
    tpu.vector_store %arg8[%swap3A_161, %swap3A_162], %gather3A_159 {strides = array<i32>} : memref<26x16xf32, #tpu.memory_space<vmem>>, vector<16xf32>,
    %broadcast_in_dim3A_164 = arith.constant 23 : i32
    %broadcast_in_dim3A_165 = vector.broadcast %broadcast_in_dim3A_164 : i32 to vector<16xi32>
    %gather3A_166 = tpu.vector_load_idx %arg7[%iota3A, %broadcast_in_dim3A_165] : memref<16x26xf32, #tpu.memory_space<vmem>>[vector<16xi32>, vector<16xi32>], vector<16xf32>,
    %swap3A_167 = arith.constant 23 : i32
    %swap3A_168 = arith.index_cast %swap3A_167 : i32 to index
    %swap3A_169 = arith.constant 0 : index
    %swap3A_170 = tpu.vector_load %arg8[%swap3A_168, %swap3A_169] {strides = array<i32>} : memref<26x16xf32, #tpu.memory_space<vmem>>, vector<16xf32>,
    tpu.vector_store %arg8[%swap3A_168, %swap3A_169], %gather3A_166 {strides = array<i32>} : memref<26x16xf32, #tpu.memory_space<vmem>>, vector<16xf32>,
    %broadcast_in_dim3A_171 = arith.constant 24 : i32
    %broadcast_in_dim3A_172 = vector.broadcast %broadcast_in_dim3A_171 : i32 to vector<16xi32>
    %gather3A_173 = tpu.vector_load_idx %arg7[%iota3A, %broadcast_in_dim3A_172] : memref<16x26xf32, #tpu.memory_space<vmem>>[vector<16xi32>, vector<16xi32>], vector<16xf32>,
    %swap3A_174 = arith.constant 24 : i32
    %swap3A_175 = arith.index_cast %swap3A_174 : i32 to index
    %swap3A_176 = arith.constant 0 : index
    %swap3A_177 = tpu.vector_load %arg8[%swap3A_175, %swap3A_176] {strides = array<i32>} : memref<26x16xf32, #tpu.memory_space<vmem>>, vector<16xf32>,
    tpu.vector_store %arg8[%swap3A_175, %swap3A_176], %gather3A_173 {strides = array<i32>} : memref<26x16xf32, #tpu.memory_space<vmem>>, vector<16xf32>,
    %broadcast_in_dim3A_178 = arith.constant 25 : i32
    %broadcast_in_dim3A_179 = vector.broadcast %broadcast_in_dim3A_178 : i32 to vector<16xi32>
    %gather3A_180 = tpu.vector_load_idx %arg7[%iota3A, %broadcast_in_dim3A_179] : memref<16x26xf32, #tpu.memory_space<vmem>>[vector<16xi32>, vector<16xi32>], vector<16xf32>,
    %swap3A_181 = arith.constant 25 : i32
    %swap3A_182 = arith.index_cast %swap3A_181 : i32 to index
    %swap3A_183 = arith.constant 0 : index
    %swap3A_184 = tpu.vector_load %arg8[%swap3A_182, %swap3A_183] {strides = array<i32>} : memref<26x16xf32, #tpu.memory_space<vmem>>, vector<16xf32>,
    tpu.vector_store %arg8[%swap3A_182, %swap3A_183], %gather3A_180 {strides = array<i32>} : memref<26x16xf32, #tpu.memory_space<vmem>>, vector<16xf32>,
    "tpu.trace_stop"() : () -> ()
    "tpu.trace_start"() <{level = 10 : i32, message = "dma_in"}> : () -> ()
    %dma_wait3A = arith.constant 0 : i32
    %dma_wait3A_185 = tpu.memref_slice %arg2[%dma_wait3A, %mul3A_2] : memref<26x16384xi32, #tpu.memory_space<hbm>> -> memref<26x512xi32, #tpu.memory_space<hbm>>
    %dma_wait3A_186 = arith.constant 0 : i32
    %dma_wait3A_187 = tpu.memref_slice %arg2[%dma_wait3A_186, %mul3A_2] : memref<26x16384xi32, #tpu.memory_space<hbm>> -> memref<26x512xi32, #tpu.memory_space<hbm>>
    tpu.wait_dma2 semaphore(%arg10 : memref<!tpu.dma_semaphore, #tpu.memory_space<semaphore_mem>>) src(%dma_wait3A_187 : memref<26x512xi32, #tpu.memory_space<hbm>>) dst(%arg5 : memref<26x512xi32, #tpu.memory_space<vmem>>)
    %parallel_loop3A = arith.constant 0 : i32
    %parallel_loop3A_188 = arith.constant 26 : i32
    %parallel_loop3A_189 = arith.constant 1 : i32
    "tpu.trace_stop"() : () -> ()
    "tpu.trace_start"() <{level = 10 : i32, message = "compute"}> : () -> ()
    scf.for %parallel_loop3A_190 = %parallel_loop3A to %parallel_loop3A_188 step %parallel_loop3A_189  : i32 {
      %parallel_loop3A_191 = arith.index_cast %parallel_loop3A_190 : i32 to index
      %parallel_loop3A_192 = arith.constant 0 : index
      %parallel_loop3A_193 = tpu.vector_load %arg5[%parallel_loop3A_191, %parallel_loop3A_192] {strides = array<i32>} : memref<26x512xi32, #tpu.memory_space<vmem>>, vector<16xi32>,
      %parallel_loop3A_194 = arith.constant 0 : i32
      %parallel_loop3A_195 = tpu.memref_slice %arg8[%parallel_loop3A_190, %parallel_loop3A_194] : memref<26x16xf32, #tpu.memory_space<vmem>> -> memref<1x16xf32, #tpu.memory_space<vmem>>
      %parallel_loop3A_196 = tpu.memref_squeeze %parallel_loop3A_195 : memref<1x16xf32, #tpu.memory_space<vmem>> -> memref<16xf32, #tpu.memory_space<vmem>>
      %parallel_loop3A_197 = tpu.vector_load_idx %parallel_loop3A_196[%parallel_loop3A_193] : memref<16xf32, #tpu.memory_space<vmem>>[vector<16xi32>], vector<16xf32>,
      %parallel_loop3A_198 = arith.index_cast %parallel_loop3A_190 : i32 to index
      %parallel_loop3A_199 = arith.constant 0 : index
      %parallel_loop3A_200 = tpu.vector_load %arg6[%parallel_loop3A_198, %parallel_loop3A_199] {strides = array<i32>} : memref<26x512xf32, #tpu.memory_space<vmem>>, vector<16xf32>,
      tpu.vector_store %arg6[%parallel_loop3A_198, %parallel_loop3A_199], %parallel_loop3A_197 {strides = array<i32>} : memref<26x512xf32, #tpu.memory_space<vmem>>, vector<16xf32>,
      %parallel_loop3A_201 = arith.index_cast %parallel_loop3A_190 : i32 to index
      %parallel_loop3A_202 = arith.constant 16 : index
      %parallel_loop3A_203 = tpu.vector_load %arg5[%parallel_loop3A_201, %parallel_loop3A_202] {strides = array<i32>} : memref<26x512xi32, #tpu.memory_space<vmem>>, vector<16xi32>,
      %parallel_loop3A_204 = arith.constant 0 : i32
      %parallel_loop3A_205 = tpu.memref_slice %arg8[%parallel_loop3A_190, %parallel_loop3A_204] : memref<26x16xf32, #tpu.memory_space<vmem>> -> memref<1x16xf32, #tpu.memory_space<vmem>>
      %parallel_loop3A_206 = tpu.memref_squeeze %parallel_loop3A_205 : memref<1x16xf32, #tpu.memory_space<vmem>> -> memref<16xf32, #tpu.memory_space<vmem>>
      %parallel_loop3A_207 = tpu.vector_load_idx %parallel_loop3A_206[%parallel_loop3A_203] : memref<16xf32, #tpu.memory_space<vmem>>[vector<16xi32>], vector<16xf32>,
      %parallel_loop3A_208 = arith.index_cast %parallel_loop3A_190 : i32 to index
      %parallel_loop3A_209 = arith.constant 16 : index
      %parallel_loop3A_210 = tpu.vector_load %arg6[%parallel_loop3A_208, %parallel_loop3A_209] {strides = array<i32>} : memref<26x512xf32, #tpu.memory_space<vmem>>, vector<16xf32>,
      tpu.vector_store %arg6[%parallel_loop3A_208, %parallel_loop3A_209], %parallel_loop3A_207 {strides = array<i32>} : memref<26x512xf32, #tpu.memory_space<vmem>>, vector<16xf32>,
      %parallel_loop3A_211 = arith.index_cast %parallel_loop3A_190 : i32 to index
      %parallel_loop3A_212 = arith.constant 32 : index
      %parallel_loop3A_213 = tpu.vector_load %arg5[%parallel_loop3A_211, %parallel_loop3A_212] {strides = array<i32>} : memref<26x512xi32, #tpu.memory_space<vmem>>, vector<16xi32>,
      %parallel_loop3A_214 = arith.constant 0 : i32
      %parallel_loop3A_215 = tpu.memref_slice %arg8[%parallel_loop3A_190, %parallel_loop3A_214] : memref<26x16xf32, #tpu.memory_space<vmem>> -> memref<1x16xf32, #tpu.memory_space<vmem>>
      %parallel_loop3A_216 = tpu.memref_squeeze %parallel_loop3A_215 : memref<1x16xf32, #tpu.memory_space<vmem>> -> memref<16xf32, #tpu.memory_space<vmem>>
      %parallel_loop3A_217 = tpu.vector_load_idx %parallel_loop3A_216[%parallel_loop3A_213] : memref<16xf32, #tpu.memory_space<vmem>>[vector<16xi32>], vector<16xf32>,
      %parallel_loop3A_218 = arith.index_cast %parallel_loop3A_190 : i32 to index
      %parallel_loop3A_219 = arith.constant 32 : index
      %parallel_loop3A_220 = tpu.vector_load %arg6[%parallel_loop3A_218, %parallel_loop3A_219] {strides = array<i32>} : memref<26x512xf32, #tpu.memory_space<vmem>>, vector<16xf32>,
      tpu.vector_store %arg6[%parallel_loop3A_218, %parallel_loop3A_219], %parallel_loop3A_217 {strides = array<i32>} : memref<26x512xf32, #tpu.memory_space<vmem>>, vector<16xf32>,
      %parallel_loop3A_221 = arith.index_cast %parallel_loop3A_190 : i32 to index
      %parallel_loop3A_222 = arith.constant 48 : index
      %parallel_loop3A_223 = tpu.vector_load %arg5[%parallel_loop3A_221, %parallel_loop3A_222] {strides = array<i32>} : memref<26x512xi32, #tpu.memory_space<vmem>>, vector<16xi32>,
      %parallel_loop3A_224 = arith.constant 0 : i32
      %parallel_loop3A_225 = tpu.memref_slice %arg8[%parallel_loop3A_190, %parallel_loop3A_224] : memref<26x16xf32, #tpu.memory_space<vmem>> -> memref<1x16xf32, #tpu.memory_space<vmem>>
      %parallel_loop3A_226 = tpu.memref_squeeze %parallel_loop3A_225 : memref<1x16xf32, #tpu.memory_space<vmem>> -> memref<16xf32, #tpu.memory_space<vmem>>
      %parallel_loop3A_227 = tpu.vector_load_idx %parallel_loop3A_226[%parallel_loop3A_223] : memref<16xf32, #tpu.memory_space<vmem>>[vector<16xi32>], vector<16xf32>,
      %parallel_loop3A_228 = arith.index_cast %parallel_loop3A_190 : i32 to index
      %parallel_loop3A_229 = arith.constant 48 : index
      %parallel_loop3A_230 = tpu.vector_load %arg6[%parallel_loop3A_228, %parallel_loop3A_229] {strides = array<i32>} : memref<26x512xf32, #tpu.memory_space<vmem>>, vector<16xf32>,
      tpu.vector_store %arg6[%parallel_loop3A_228, %parallel_loop3A_229], %parallel_loop3A_227 {strides = array<i32>} : memref<26x512xf32, #tpu.memory_space<vmem>>, vector<16xf32>,
      %parallel_loop3A_231 = arith.index_cast %parallel_loop3A_190 : i32 to index
      %parallel_loop3A_232 = arith.constant 64 : index
      %parallel_loop3A_233 = tpu.vector_load %arg5[%parallel_loop3A_231, %parallel_loop3A_232] {strides = array<i32>} : memref<26x512xi32, #tpu.memory_space<vmem>>, vector<16xi32>,
      %parallel_loop3A_234 = arith.constant 0 : i32
      %parallel_loop3A_235 = tpu.memref_slice %arg8[%parallel_loop3A_190, %parallel_loop3A_234] : memref<26x16xf32, #tpu.memory_space<vmem>> -> memref<1x16xf32, #tpu.memory_space<vmem>>
      %parallel_loop3A_236 = tpu.memref_squeeze %parallel_loop3A_235 : memref<1x16xf32, #tpu.memory_space<vmem>> -> memref<16xf32, #tpu.memory_space<vmem>>
      %parallel_loop3A_237 = tpu.vector_load_idx %parallel_loop3A_236[%parallel_loop3A_233] : memref<16xf32, #tpu.memory_space<vmem>>[vector<16xi32>], vector<16xf32>,
      %parallel_loop3A_238 = arith.index_cast %parallel_loop3A_190 : i32 to index
      %parallel_loop3A_239 = arith.constant 64 : index
      %parallel_loop3A_240 = tpu.vector_load %arg6[%parallel_loop3A_238, %parallel_loop3A_239] {strides = array<i32>} : memref<26x512xf32, #tpu.memory_space<vmem>>, vector<16xf32>,
      tpu.vector_store %arg6[%parallel_loop3A_238, %parallel_loop3A_239], %parallel_loop3A_237 {strides = array<i32>} : memref<26x512xf32, #tpu.memory_space<vmem>>, vector<16xf32>,
      %parallel_loop3A_241 = arith.index_cast %parallel_loop3A_190 : i32 to index
      %parallel_loop3A_242 = arith.constant 80 : index
      %parallel_loop3A_243 = tpu.vector_load %arg5[%parallel_loop3A_241, %parallel_loop3A_242] {strides = array<i32>} : memref<26x512xi32, #tpu.memory_space<vmem>>, vector<16xi32>,
      %parallel_loop3A_244 = arith.constant 0 : i32
      %parallel_loop3A_245 = tpu.memref_slice %arg8[%parallel_loop3A_190, %parallel_loop3A_244] : memref<26x16xf32, #tpu.memory_space<vmem>> -> memref<1x16xf32, #tpu.memory_space<vmem>>
      %parallel_loop3A_246 = tpu.memref_squeeze %parallel_loop3A_245 : memref<1x16xf32, #tpu.memory_space<vmem>> -> memref<16xf32, #tpu.memory_space<vmem>>
      %parallel_loop3A_247 = tpu.vector_load_idx %parallel_loop3A_246[%parallel_loop3A_243] : memref<16xf32, #tpu.memory_space<vmem>>[vector<16xi32>], vector<16xf32>,
      %parallel_loop3A_248 = arith.index_cast %parallel_loop3A_190 : i32 to index
      %parallel_loop3A_249 = arith.constant 80 : index
      %parallel_loop3A_250 = tpu.vector_load %arg6[%parallel_loop3A_248, %parallel_loop3A_249] {strides = array<i32>} : memref<26x512xf32, #tpu.memory_space<vmem>>, vector<16xf32>,
      tpu.vector_store %arg6[%parallel_loop3A_248, %parallel_loop3A_249], %parallel_loop3A_247 {strides = array<i32>} : memref<26x512xf32, #tpu.memory_space<vmem>>, vector<16xf32>,
      %parallel_loop3A_251 = arith.index_cast %parallel_loop3A_190 : i32 to index
      %parallel_loop3A_252 = arith.constant 96 : index
      %parallel_loop3A_253 = tpu.vector_load %arg5[%parallel_loop3A_251, %parallel_loop3A_252] {strides = array<i32>} : memref<26x512xi32, #tpu.memory_space<vmem>>, vector<16xi32>,
      %parallel_loop3A_254 = arith.constant 0 : i32
      %parallel_loop3A_255 = tpu.memref_slice %arg8[%parallel_loop3A_190, %parallel_loop3A_254] : memref<26x16xf32, #tpu.memory_space<vmem>> -> memref<1x16xf32, #tpu.memory_space<vmem>>
      %parallel_loop3A_256 = tpu.memref_squeeze %parallel_loop3A_255 : memref<1x16xf32, #tpu.memory_space<vmem>> -> memref<16xf32, #tpu.memory_space<vmem>>
      %parallel_loop3A_257 = tpu.vector_load_idx %parallel_loop3A_256[%parallel_loop3A_253] : memref<16xf32, #tpu.memory_space<vmem>>[vector<16xi32>], vector<16xf32>,
      %parallel_loop3A_258 = arith.index_cast %parallel_loop3A_190 : i32 to index
      %parallel_loop3A_259 = arith.constant 96 : index
      %parallel_loop3A_260 = tpu.vector_load %arg6[%parallel_loop3A_258, %parallel_loop3A_259] {strides = array<i32>} : memref<26x512xf32, #tpu.memory_space<vmem>>, vector<16xf32>,
      tpu.vector_store %arg6[%parallel_loop3A_258, %parallel_loop3A_259], %parallel_loop3A_257 {strides = array<i32>} : memref<26x512xf32, #tpu.memory_space<vmem>>, vector<16xf32>,
      %parallel_loop3A_261 = arith.index_cast %parallel_loop3A_190 : i32 to index
      %parallel_loop3A_262 = arith.constant 112 : index
      %parallel_loop3A_263 = tpu.vector_load %arg5[%parallel_loop3A_261, %parallel_loop3A_262] {strides = array<i32>} : memref<26x512xi32, #tpu.memory_space<vmem>>, vector<16xi32>,
      %parallel_loop3A_264 = arith.constant 0 : i32
      %parallel_loop3A_265 = tpu.memref_slice %arg8[%parallel_loop3A_190, %parallel_loop3A_264] : memref<26x16xf32, #tpu.memory_space<vmem>> -> memref<1x16xf32, #tpu.memory_space<vmem>>
      %parallel_loop3A_266 = tpu.memref_squeeze %parallel_loop3A_265 : memref<1x16xf32, #tpu.memory_space<vmem>> -> memref<16xf32, #tpu.memory_space<vmem>>
      %parallel_loop3A_267 = tpu.vector_load_idx %parallel_loop3A_266[%parallel_loop3A_263] : memref<16xf32, #tpu.memory_space<vmem>>[vector<16xi32>], vector<16xf32>,
      %parallel_loop3A_268 = arith.index_cast %parallel_loop3A_190 : i32 to index
      %parallel_loop3A_269 = arith.constant 112 : index
      %parallel_loop3A_270 = tpu.vector_load %arg6[%parallel_loop3A_268, %parallel_loop3A_269] {strides = array<i32>} : memref<26x512xf32, #tpu.memory_space<vmem>>, vector<16xf32>,
      tpu.vector_store %arg6[%parallel_loop3A_268, %parallel_loop3A_269], %parallel_loop3A_267 {strides = array<i32>} : memref<26x512xf32, #tpu.memory_space<vmem>>, vector<16xf32>,
      %parallel_loop3A_271 = arith.index_cast %parallel_loop3A_190 : i32 to index
      %parallel_loop3A_272 = arith.constant 128 : index
      %parallel_loop3A_273 = tpu.vector_load %arg5[%parallel_loop3A_271, %parallel_loop3A_272] {strides = array<i32>} : memref<26x512xi32, #tpu.memory_space<vmem>>, vector<16xi32>,
      %parallel_loop3A_274 = arith.constant 0 : i32
      %parallel_loop3A_275 = tpu.memref_slice %arg8[%parallel_loop3A_190, %parallel_loop3A_274] : memref<26x16xf32, #tpu.memory_space<vmem>> -> memref<1x16xf32, #tpu.memory_space<vmem>>
      %parallel_loop3A_276 = tpu.memref_squeeze %parallel_loop3A_275 : memref<1x16xf32, #tpu.memory_space<vmem>> -> memref<16xf32, #tpu.memory_space<vmem>>
      %parallel_loop3A_277 = tpu.vector_load_idx %parallel_loop3A_276[%parallel_loop3A_273] : memref<16xf32, #tpu.memory_space<vmem>>[vector<16xi32>], vector<16xf32>,
      %parallel_loop3A_278 = arith.index_cast %parallel_loop3A_190 : i32 to index
      %parallel_loop3A_279 = arith.constant 128 : index
      %parallel_loop3A_280 = tpu.vector_load %arg6[%parallel_loop3A_278, %parallel_loop3A_279] {strides = array<i32>} : memref<26x512xf32, #tpu.memory_space<vmem>>, vector<16xf32>,
      tpu.vector_store %arg6[%parallel_loop3A_278, %parallel_loop3A_279], %parallel_loop3A_277 {strides = array<i32>} : memref<26x512xf32, #tpu.memory_space<vmem>>, vector<16xf32>,
      %parallel_loop3A_281 = arith.index_cast %parallel_loop3A_190 : i32 to index
      %parallel_loop3A_282 = arith.constant 144 : index
      %parallel_loop3A_283 = tpu.vector_load %arg5[%parallel_loop3A_281, %parallel_loop3A_282] {strides = array<i32>} : memref<26x512xi32, #tpu.memory_space<vmem>>, vector<16xi32>,
      %parallel_loop3A_284 = arith.constant 0 : i32
      %parallel_loop3A_285 = tpu.memref_slice %arg8[%parallel_loop3A_190, %parallel_loop3A_284] : memref<26x16xf32, #tpu.memory_space<vmem>> -> memref<1x16xf32, #tpu.memory_space<vmem>>
      %parallel_loop3A_286 = tpu.memref_squeeze %parallel_loop3A_285 : memref<1x16xf32, #tpu.memory_space<vmem>> -> memref<16xf32, #tpu.memory_space<vmem>>
      %parallel_loop3A_287 = tpu.vector_load_idx %parallel_loop3A_286[%parallel_loop3A_283] : memref<16xf32, #tpu.memory_space<vmem>>[vector<16xi32>], vector<16xf32>,
      %parallel_loop3A_288 = arith.index_cast %parallel_loop3A_190 : i32 to index
      %parallel_loop3A_289 = arith.constant 144 : index
      %parallel_loop3A_290 = tpu.vector_load %arg6[%parallel_loop3A_288, %parallel_loop3A_289] {strides = array<i32>} : memref<26x512xf32, #tpu.memory_space<vmem>>, vector<16xf32>,
      tpu.vector_store %arg6[%parallel_loop3A_288, %parallel_loop3A_289], %parallel_loop3A_287 {strides = array<i32>} : memref<26x512xf32, #tpu.memory_space<vmem>>, vector<16xf32>,
      %parallel_loop3A_291 = arith.index_cast %parallel_loop3A_190 : i32 to index
      %parallel_loop3A_292 = arith.constant 160 : index
      %parallel_loop3A_293 = tpu.vector_load %arg5[%parallel_loop3A_291, %parallel_loop3A_292] {strides = array<i32>} : memref<26x512xi32, #tpu.memory_space<vmem>>, vector<16xi32>,
      %parallel_loop3A_294 = arith.constant 0 : i32
      %parallel_loop3A_295 = tpu.memref_slice %arg8[%parallel_loop3A_190, %parallel_loop3A_294] : memref<26x16xf32, #tpu.memory_space<vmem>> -> memref<1x16xf32, #tpu.memory_space<vmem>>
      %parallel_loop3A_296 = tpu.memref_squeeze %parallel_loop3A_295 : memref<1x16xf32, #tpu.memory_space<vmem>> -> memref<16xf32, #tpu.memory_space<vmem>>
      %parallel_loop3A_297 = tpu.vector_load_idx %parallel_loop3A_296[%parallel_loop3A_293] : memref<16xf32, #tpu.memory_space<vmem>>[vector<16xi32>], vector<16xf32>,
      %parallel_loop3A_298 = arith.index_cast %parallel_loop3A_190 : i32 to index
      %parallel_loop3A_299 = arith.constant 160 : index
      %parallel_loop3A_300 = tpu.vector_load %arg6[%parallel_loop3A_298, %parallel_loop3A_299] {strides = array<i32>} : memref<26x512xf32, #tpu.memory_space<vmem>>, vector<16xf32>,
      tpu.vector_store %arg6[%parallel_loop3A_298, %parallel_loop3A_299], %parallel_loop3A_297 {strides = array<i32>} : memref<26x512xf32, #tpu.memory_space<vmem>>, vector<16xf32>,
      %parallel_loop3A_301 = arith.index_cast %parallel_loop3A_190 : i32 to index
      %parallel_loop3A_302 = arith.constant 176 : index
      %parallel_loop3A_303 = tpu.vector_load %arg5[%parallel_loop3A_301, %parallel_loop3A_302] {strides = array<i32>} : memref<26x512xi32, #tpu.memory_space<vmem>>, vector<16xi32>,
      %parallel_loop3A_304 = arith.constant 0 : i32
      %parallel_loop3A_305 = tpu.memref_slice %arg8[%parallel_loop3A_190, %parallel_loop3A_304] : memref<26x16xf32, #tpu.memory_space<vmem>> -> memref<1x16xf32, #tpu.memory_space<vmem>>
      %parallel_loop3A_306 = tpu.memref_squeeze %parallel_loop3A_305 : memref<1x16xf32, #tpu.memory_space<vmem>> -> memref<16xf32, #tpu.memory_space<vmem>>
      %parallel_loop3A_307 = tpu.vector_load_idx %parallel_loop3A_306[%parallel_loop3A_303] : memref<16xf32, #tpu.memory_space<vmem>>[vector<16xi32>], vector<16xf32>,
      %parallel_loop3A_308 = arith.index_cast %parallel_loop3A_190 : i32 to index
      %parallel_loop3A_309 = arith.constant 176 : index
      %parallel_loop3A_310 = tpu.vector_load %arg6[%parallel_loop3A_308, %parallel_loop3A_309] {strides = array<i32>} : memref<26x512xf32, #tpu.memory_space<vmem>>, vector<16xf32>,
      tpu.vector_store %arg6[%parallel_loop3A_308, %parallel_loop3A_309], %parallel_loop3A_307 {strides = array<i32>} : memref<26x512xf32, #tpu.memory_space<vmem>>, vector<16xf32>,
      %parallel_loop3A_311 = arith.index_cast %parallel_loop3A_190 : i32 to index
      %parallel_loop3A_312 = arith.constant 192 : index
      %parallel_loop3A_313 = tpu.vector_load %arg5[%parallel_loop3A_311, %parallel_loop3A_312] {strides = array<i32>} : memref<26x512xi32, #tpu.memory_space<vmem>>, vector<16xi32>,
      %parallel_loop3A_314 = arith.constant 0 : i32
      %parallel_loop3A_315 = tpu.memref_slice %arg8[%parallel_loop3A_190, %parallel_loop3A_314] : memref<26x16xf32, #tpu.memory_space<vmem>> -> memref<1x16xf32, #tpu.memory_space<vmem>>
      %parallel_loop3A_316 = tpu.memref_squeeze %parallel_loop3A_315 : memref<1x16xf32, #tpu.memory_space<vmem>> -> memref<16xf32, #tpu.memory_space<vmem>>
      %parallel_loop3A_317 = tpu.vector_load_idx %parallel_loop3A_316[%parallel_loop3A_313] : memref<16xf32, #tpu.memory_space<vmem>>[vector<16xi32>], vector<16xf32>,
      %parallel_loop3A_318 = arith.index_cast %parallel_loop3A_190 : i32 to index
      %parallel_loop3A_319 = arith.constant 192 : index
      %parallel_loop3A_320 = tpu.vector_load %arg6[%parallel_loop3A_318, %parallel_loop3A_319] {strides = array<i32>} : memref<26x512xf32, #tpu.memory_space<vmem>>, vector<16xf32>,
      tpu.vector_store %arg6[%parallel_loop3A_318, %parallel_loop3A_319], %parallel_loop3A_317 {strides = array<i32>} : memref<26x512xf32, #tpu.memory_space<vmem>>, vector<16xf32>,
      %parallel_loop3A_321 = arith.index_cast %parallel_loop3A_190 : i32 to index
      %parallel_loop3A_322 = arith.constant 208 : index
      %parallel_loop3A_323 = tpu.vector_load %arg5[%parallel_loop3A_321, %parallel_loop3A_322] {strides = array<i32>} : memref<26x512xi32, #tpu.memory_space<vmem>>, vector<16xi32>,
      %parallel_loop3A_324 = arith.constant 0 : i32
      %parallel_loop3A_325 = tpu.memref_slice %arg8[%parallel_loop3A_190, %parallel_loop3A_324] : memref<26x16xf32, #tpu.memory_space<vmem>> -> memref<1x16xf32, #tpu.memory_space<vmem>>
      %parallel_loop3A_326 = tpu.memref_squeeze %parallel_loop3A_325 : memref<1x16xf32, #tpu.memory_space<vmem>> -> memref<16xf32, #tpu.memory_space<vmem>>
      %parallel_loop3A_327 = tpu.vector_load_idx %parallel_loop3A_326[%parallel_loop3A_323] : memref<16xf32, #tpu.memory_space<vmem>>[vector<16xi32>], vector<16xf32>,
      %parallel_loop3A_328 = arith.index_cast %parallel_loop3A_190 : i32 to index
      %parallel_loop3A_329 = arith.constant 208 : index
      %parallel_loop3A_330 = tpu.vector_load %arg6[%parallel_loop3A_328, %parallel_loop3A_329] {strides = array<i32>} : memref<26x512xf32, #tpu.memory_space<vmem>>, vector<16xf32>,
      tpu.vector_store %arg6[%parallel_loop3A_328, %parallel_loop3A_329], %parallel_loop3A_327 {strides = array<i32>} : memref<26x512xf32, #tpu.memory_space<vmem>>, vector<16xf32>,
      %parallel_loop3A_331 = arith.index_cast %parallel_loop3A_190 : i32 to index
      %parallel_loop3A_332 = arith.constant 224 : index
      %parallel_loop3A_333 = tpu.vector_load %arg5[%parallel_loop3A_331, %parallel_loop3A_332] {strides = array<i32>} : memref<26x512xi32, #tpu.memory_space<vmem>>, vector<16xi32>,
      %parallel_loop3A_334 = arith.constant 0 : i32
      %parallel_loop3A_335 = tpu.memref_slice %arg8[%parallel_loop3A_190, %parallel_loop3A_334] : memref<26x16xf32, #tpu.memory_space<vmem>> -> memref<1x16xf32, #tpu.memory_space<vmem>>
      %parallel_loop3A_336 = tpu.memref_squeeze %parallel_loop3A_335 : memref<1x16xf32, #tpu.memory_space<vmem>> -> memref<16xf32, #tpu.memory_space<vmem>>
      %parallel_loop3A_337 = tpu.vector_load_idx %parallel_loop3A_336[%parallel_loop3A_333] : memref<16xf32, #tpu.memory_space<vmem>>[vector<16xi32>], vector<16xf32>,
      %parallel_loop3A_338 = arith.index_cast %parallel_loop3A_190 : i32 to index
      %parallel_loop3A_339 = arith.constant 224 : index
      %parallel_loop3A_340 = tpu.vector_load %arg6[%parallel_loop3A_338, %parallel_loop3A_339] {strides = array<i32>} : memref<26x512xf32, #tpu.memory_space<vmem>>, vector<16xf32>,
      tpu.vector_store %arg6[%parallel_loop3A_338, %parallel_loop3A_339], %parallel_loop3A_337 {strides = array<i32>} : memref<26x512xf32, #tpu.memory_space<vmem>>, vector<16xf32>,
      %parallel_loop3A_341 = arith.index_cast %parallel_loop3A_190 : i32 to index
      %parallel_loop3A_342 = arith.constant 240 : index
      %parallel_loop3A_343 = tpu.vector_load %arg5[%parallel_loop3A_341, %parallel_loop3A_342] {strides = array<i32>} : memref<26x512xi32, #tpu.memory_space<vmem>>, vector<16xi32>,
      %parallel_loop3A_344 = arith.constant 0 : i32
      %parallel_loop3A_345 = tpu.memref_slice %arg8[%parallel_loop3A_190, %parallel_loop3A_344] : memref<26x16xf32, #tpu.memory_space<vmem>> -> memref<1x16xf32, #tpu.memory_space<vmem>>
      %parallel_loop3A_346 = tpu.memref_squeeze %parallel_loop3A_345 : memref<1x16xf32, #tpu.memory_space<vmem>> -> memref<16xf32, #tpu.memory_space<vmem>>
      %parallel_loop3A_347 = tpu.vector_load_idx %parallel_loop3A_346[%parallel_loop3A_343] : memref<16xf32, #tpu.memory_space<vmem>>[vector<16xi32>], vector<16xf32>,
      %parallel_loop3A_348 = arith.index_cast %parallel_loop3A_190 : i32 to index
      %parallel_loop3A_349 = arith.constant 240 : index
      %parallel_loop3A_350 = tpu.vector_load %arg6[%parallel_loop3A_348, %parallel_loop3A_349] {strides = array<i32>} : memref<26x512xf32, #tpu.memory_space<vmem>>, vector<16xf32>,
      tpu.vector_store %arg6[%parallel_loop3A_348, %parallel_loop3A_349], %parallel_loop3A_347 {strides = array<i32>} : memref<26x512xf32, #tpu.memory_space<vmem>>, vector<16xf32>,
      %parallel_loop3A_351 = arith.index_cast %parallel_loop3A_190 : i32 to index
      %parallel_loop3A_352 = arith.constant 256 : index
      %parallel_loop3A_353 = tpu.vector_load %arg5[%parallel_loop3A_351, %parallel_loop3A_352] {strides = array<i32>} : memref<26x512xi32, #tpu.memory_space<vmem>>, vector<16xi32>,
      %parallel_loop3A_354 = arith.constant 0 : i32
      %parallel_loop3A_355 = tpu.memref_slice %arg8[%parallel_loop3A_190, %parallel_loop3A_354] : memref<26x16xf32, #tpu.memory_space<vmem>> -> memref<1x16xf32, #tpu.memory_space<vmem>>
      %parallel_loop3A_356 = tpu.memref_squeeze %parallel_loop3A_355 : memref<1x16xf32, #tpu.memory_space<vmem>> -> memref<16xf32, #tpu.memory_space<vmem>>
      %parallel_loop3A_357 = tpu.vector_load_idx %parallel_loop3A_356[%parallel_loop3A_353] : memref<16xf32, #tpu.memory_space<vmem>>[vector<16xi32>], vector<16xf32>,
      %parallel_loop3A_358 = arith.index_cast %parallel_loop3A_190 : i32 to index
      %parallel_loop3A_359 = arith.constant 256 : index
      %parallel_loop3A_360 = tpu.vector_load %arg6[%parallel_loop3A_358, %parallel_loop3A_359] {strides = array<i32>} : memref<26x512xf32, #tpu.memory_space<vmem>>, vector<16xf32>,
      tpu.vector_store %arg6[%parallel_loop3A_358, %parallel_loop3A_359], %parallel_loop3A_357 {strides = array<i32>} : memref<26x512xf32, #tpu.memory_space<vmem>>, vector<16xf32>,
      %parallel_loop3A_361 = arith.index_cast %parallel_loop3A_190 : i32 to index
      %parallel_loop3A_362 = arith.constant 272 : index
      %parallel_loop3A_363 = tpu.vector_load %arg5[%parallel_loop3A_361, %parallel_loop3A_362] {strides = array<i32>} : memref<26x512xi32, #tpu.memory_space<vmem>>, vector<16xi32>,
      %parallel_loop3A_364 = arith.constant 0 : i32
      %parallel_loop3A_365 = tpu.memref_slice %arg8[%parallel_loop3A_190, %parallel_loop3A_364] : memref<26x16xf32, #tpu.memory_space<vmem>> -> memref<1x16xf32, #tpu.memory_space<vmem>>
      %parallel_loop3A_366 = tpu.memref_squeeze %parallel_loop3A_365 : memref<1x16xf32, #tpu.memory_space<vmem>> -> memref<16xf32, #tpu.memory_space<vmem>>
      %parallel_loop3A_367 = tpu.vector_load_idx %parallel_loop3A_366[%parallel_loop3A_363] : memref<16xf32, #tpu.memory_space<vmem>>[vector<16xi32>], vector<16xf32>,
      %parallel_loop3A_368 = arith.index_cast %parallel_loop3A_190 : i32 to index
      %parallel_loop3A_369 = arith.constant 272 : index
      %parallel_loop3A_370 = tpu.vector_load %arg6[%parallel_loop3A_368, %parallel_loop3A_369] {strides = array<i32>} : memref<26x512xf32, #tpu.memory_space<vmem>>, vector<16xf32>,
      tpu.vector_store %arg6[%parallel_loop3A_368, %parallel_loop3A_369], %parallel_loop3A_367 {strides = array<i32>} : memref<26x512xf32, #tpu.memory_space<vmem>>, vector<16xf32>,
      %parallel_loop3A_371 = arith.index_cast %parallel_loop3A_190 : i32 to index
      %parallel_loop3A_372 = arith.constant 288 : index
      %parallel_loop3A_373 = tpu.vector_load %arg5[%parallel_loop3A_371, %parallel_loop3A_372] {strides = array<i32>} : memref<26x512xi32, #tpu.memory_space<vmem>>, vector<16xi32>,
      %parallel_loop3A_374 = arith.constant 0 : i32
      %parallel_loop3A_375 = tpu.memref_slice %arg8[%parallel_loop3A_190, %parallel_loop3A_374] : memref<26x16xf32, #tpu.memory_space<vmem>> -> memref<1x16xf32, #tpu.memory_space<vmem>>
      %parallel_loop3A_376 = tpu.memref_squeeze %parallel_loop3A_375 : memref<1x16xf32, #tpu.memory_space<vmem>> -> memref<16xf32, #tpu.memory_space<vmem>>
      %parallel_loop3A_377 = tpu.vector_load_idx %parallel_loop3A_376[%parallel_loop3A_373] : memref<16xf32, #tpu.memory_space<vmem>>[vector<16xi32>], vector<16xf32>,
      %parallel_loop3A_378 = arith.index_cast %parallel_loop3A_190 : i32 to index
      %parallel_loop3A_379 = arith.constant 288 : index
      %parallel_loop3A_380 = tpu.vector_load %arg6[%parallel_loop3A_378, %parallel_loop3A_379] {strides = array<i32>} : memref<26x512xf32, #tpu.memory_space<vmem>>, vector<16xf32>,
      tpu.vector_store %arg6[%parallel_loop3A_378, %parallel_loop3A_379], %parallel_loop3A_377 {strides = array<i32>} : memref<26x512xf32, #tpu.memory_space<vmem>>, vector<16xf32>,
      %parallel_loop3A_381 = arith.index_cast %parallel_loop3A_190 : i32 to index
      %parallel_loop3A_382 = arith.constant 304 : index
      %parallel_loop3A_383 = tpu.vector_load %arg5[%parallel_loop3A_381, %parallel_loop3A_382] {strides = array<i32>} : memref<26x512xi32, #tpu.memory_space<vmem>>, vector<16xi32>,
      %parallel_loop3A_384 = arith.constant 0 : i32
      %parallel_loop3A_385 = tpu.memref_slice %arg8[%parallel_loop3A_190, %parallel_loop3A_384] : memref<26x16xf32, #tpu.memory_space<vmem>> -> memref<1x16xf32, #tpu.memory_space<vmem>>
      %parallel_loop3A_386 = tpu.memref_squeeze %parallel_loop3A_385 : memref<1x16xf32, #tpu.memory_space<vmem>> -> memref<16xf32, #tpu.memory_space<vmem>>
      %parallel_loop3A_387 = tpu.vector_load_idx %parallel_loop3A_386[%parallel_loop3A_383] : memref<16xf32, #tpu.memory_space<vmem>>[vector<16xi32>], vector<16xf32>,
      %parallel_loop3A_388 = arith.index_cast %parallel_loop3A_190 : i32 to index
      %parallel_loop3A_389 = arith.constant 304 : index
      %parallel_loop3A_390 = tpu.vector_load %arg6[%parallel_loop3A_388, %parallel_loop3A_389] {strides = array<i32>} : memref<26x512xf32, #tpu.memory_space<vmem>>, vector<16xf32>,
      tpu.vector_store %arg6[%parallel_loop3A_388, %parallel_loop3A_389], %parallel_loop3A_387 {strides = array<i32>} : memref<26x512xf32, #tpu.memory_space<vmem>>, vector<16xf32>,
      %parallel_loop3A_391 = arith.index_cast %parallel_loop3A_190 : i32 to index
      %parallel_loop3A_392 = arith.constant 320 : index
      %parallel_loop3A_393 = tpu.vector_load %arg5[%parallel_loop3A_391, %parallel_loop3A_392] {strides = array<i32>} : memref<26x512xi32, #tpu.memory_space<vmem>>, vector<16xi32>,
      %parallel_loop3A_394 = arith.constant 0 : i32
      %parallel_loop3A_395 = tpu.memref_slice %arg8[%parallel_loop3A_190, %parallel_loop3A_394] : memref<26x16xf32, #tpu.memory_space<vmem>> -> memref<1x16xf32, #tpu.memory_space<vmem>>
      %parallel_loop3A_396 = tpu.memref_squeeze %parallel_loop3A_395 : memref<1x16xf32, #tpu.memory_space<vmem>> -> memref<16xf32, #tpu.memory_space<vmem>>
      %parallel_loop3A_397 = tpu.vector_load_idx %parallel_loop3A_396[%parallel_loop3A_393] : memref<16xf32, #tpu.memory_space<vmem>>[vector<16xi32>], vector<16xf32>,
      %parallel_loop3A_398 = arith.index_cast %parallel_loop3A_190 : i32 to index
      %parallel_loop3A_399 = arith.constant 320 : index
      %parallel_loop3A_400 = tpu.vector_load %arg6[%parallel_loop3A_398, %parallel_loop3A_399] {strides = array<i32>} : memref<26x512xf32, #tpu.memory_space<vmem>>, vector<16xf32>,
      tpu.vector_store %arg6[%parallel_loop3A_398, %parallel_loop3A_399], %parallel_loop3A_397 {strides = array<i32>} : memref<26x512xf32, #tpu.memory_space<vmem>>, vector<16xf32>,
      %parallel_loop3A_401 = arith.index_cast %parallel_loop3A_190 : i32 to index
      %parallel_loop3A_402 = arith.constant 336 : index
      %parallel_loop3A_403 = tpu.vector_load %arg5[%parallel_loop3A_401, %parallel_loop3A_402] {strides = array<i32>} : memref<26x512xi32, #tpu.memory_space<vmem>>, vector<16xi32>,
      %parallel_loop3A_404 = arith.constant 0 : i32
      %parallel_loop3A_405 = tpu.memref_slice %arg8[%parallel_loop3A_190, %parallel_loop3A_404] : memref<26x16xf32, #tpu.memory_space<vmem>> -> memref<1x16xf32, #tpu.memory_space<vmem>>
      %parallel_loop3A_406 = tpu.memref_squeeze %parallel_loop3A_405 : memref<1x16xf32, #tpu.memory_space<vmem>> -> memref<16xf32, #tpu.memory_space<vmem>>
      %parallel_loop3A_407 = tpu.vector_load_idx %parallel_loop3A_406[%parallel_loop3A_403] : memref<16xf32, #tpu.memory_space<vmem>>[vector<16xi32>], vector<16xf32>,
      %parallel_loop3A_408 = arith.index_cast %parallel_loop3A_190 : i32 to index
      %parallel_loop3A_409 = arith.constant 336 : index
      %parallel_loop3A_410 = tpu.vector_load %arg6[%parallel_loop3A_408, %parallel_loop3A_409] {strides = array<i32>} : memref<26x512xf32, #tpu.memory_space<vmem>>, vector<16xf32>,
      tpu.vector_store %arg6[%parallel_loop3A_408, %parallel_loop3A_409], %parallel_loop3A_407 {strides = array<i32>} : memref<26x512xf32, #tpu.memory_space<vmem>>, vector<16xf32>,
      %parallel_loop3A_411 = arith.index_cast %parallel_loop3A_190 : i32 to index
      %parallel_loop3A_412 = arith.constant 352 : index
      %parallel_loop3A_413 = tpu.vector_load %arg5[%parallel_loop3A_411, %parallel_loop3A_412] {strides = array<i32>} : memref<26x512xi32, #tpu.memory_space<vmem>>, vector<16xi32>,
      %parallel_loop3A_414 = arith.constant 0 : i32
      %parallel_loop3A_415 = tpu.memref_slice %arg8[%parallel_loop3A_190, %parallel_loop3A_414] : memref<26x16xf32, #tpu.memory_space<vmem>> -> memref<1x16xf32, #tpu.memory_space<vmem>>
      %parallel_loop3A_416 = tpu.memref_squeeze %parallel_loop3A_415 : memref<1x16xf32, #tpu.memory_space<vmem>> -> memref<16xf32, #tpu.memory_space<vmem>>
      %parallel_loop3A_417 = tpu.vector_load_idx %parallel_loop3A_416[%parallel_loop3A_413] : memref<16xf32, #tpu.memory_space<vmem>>[vector<16xi32>], vector<16xf32>,
      %parallel_loop3A_418 = arith.index_cast %parallel_loop3A_190 : i32 to index
      %parallel_loop3A_419 = arith.constant 352 : index
      %parallel_loop3A_420 = tpu.vector_load %arg6[%parallel_loop3A_418, %parallel_loop3A_419] {strides = array<i32>} : memref<26x512xf32, #tpu.memory_space<vmem>>, vector<16xf32>,
      tpu.vector_store %arg6[%parallel_loop3A_418, %parallel_loop3A_419], %parallel_loop3A_417 {strides = array<i32>} : memref<26x512xf32, #tpu.memory_space<vmem>>, vector<16xf32>,
      %parallel_loop3A_421 = arith.index_cast %parallel_loop3A_190 : i32 to index
      %parallel_loop3A_422 = arith.constant 368 : index
      %parallel_loop3A_423 = tpu.vector_load %arg5[%parallel_loop3A_421, %parallel_loop3A_422] {strides = array<i32>} : memref<26x512xi32, #tpu.memory_space<vmem>>, vector<16xi32>,
      %parallel_loop3A_424 = arith.constant 0 : i32
      %parallel_loop3A_425 = tpu.memref_slice %arg8[%parallel_loop3A_190, %parallel_loop3A_424] : memref<26x16xf32, #tpu.memory_space<vmem>> -> memref<1x16xf32, #tpu.memory_space<vmem>>
      %parallel_loop3A_426 = tpu.memref_squeeze %parallel_loop3A_425 : memref<1x16xf32, #tpu.memory_space<vmem>> -> memref<16xf32, #tpu.memory_space<vmem>>
      %parallel_loop3A_427 = tpu.vector_load_idx %parallel_loop3A_426[%parallel_loop3A_423] : memref<16xf32, #tpu.memory_space<vmem>>[vector<16xi32>], vector<16xf32>,
      %parallel_loop3A_428 = arith.index_cast %parallel_loop3A_190 : i32 to index
      %parallel_loop3A_429 = arith.constant 368 : index
      %parallel_loop3A_430 = tpu.vector_load %arg6[%parallel_loop3A_428, %parallel_loop3A_429] {strides = array<i32>} : memref<26x512xf32, #tpu.memory_space<vmem>>, vector<16xf32>,
      tpu.vector_store %arg6[%parallel_loop3A_428, %parallel_loop3A_429], %parallel_loop3A_427 {strides = array<i32>} : memref<26x512xf32, #tpu.memory_space<vmem>>, vector<16xf32>,
      %parallel_loop3A_431 = arith.index_cast %parallel_loop3A_190 : i32 to index
      %parallel_loop3A_432 = arith.constant 384 : index
      %parallel_loop3A_433 = tpu.vector_load %arg5[%parallel_loop3A_431, %parallel_loop3A_432] {strides = array<i32>} : memref<26x512xi32, #tpu.memory_space<vmem>>, vector<16xi32>,
      %parallel_loop3A_434 = arith.constant 0 : i32
      %parallel_loop3A_435 = tpu.memref_slice %arg8[%parallel_loop3A_190, %parallel_loop3A_434] : memref<26x16xf32, #tpu.memory_space<vmem>> -> memref<1x16xf32, #tpu.memory_space<vmem>>
      %parallel_loop3A_436 = tpu.memref_squeeze %parallel_loop3A_435 : memref<1x16xf32, #tpu.memory_space<vmem>> -> memref<16xf32, #tpu.memory_space<vmem>>
      %parallel_loop3A_437 = tpu.vector_load_idx %parallel_loop3A_436[%parallel_loop3A_433] : memref<16xf32, #tpu.memory_space<vmem>>[vector<16xi32>], vector<16xf32>,
      %parallel_loop3A_438 = arith.index_cast %parallel_loop3A_190 : i32 to index
      %parallel_loop3A_439 = arith.constant 384 : index
      %parallel_loop3A_440 = tpu.vector_load %arg6[%parallel_loop3A_438, %parallel_loop3A_439] {strides = array<i32>} : memref<26x512xf32, #tpu.memory_space<vmem>>, vector<16xf32>,
      tpu.vector_store %arg6[%parallel_loop3A_438, %parallel_loop3A_439], %parallel_loop3A_437 {strides = array<i32>} : memref<26x512xf32, #tpu.memory_space<vmem>>, vector<16xf32>,
      %parallel_loop3A_441 = arith.index_cast %parallel_loop3A_190 : i32 to index
      %parallel_loop3A_442 = arith.constant 400 : index
      %parallel_loop3A_443 = tpu.vector_load %arg5[%parallel_loop3A_441, %parallel_loop3A_442] {strides = array<i32>} : memref<26x512xi32, #tpu.memory_space<vmem>>, vector<16xi32>,
      %parallel_loop3A_444 = arith.constant 0 : i32
      %parallel_loop3A_445 = tpu.memref_slice %arg8[%parallel_loop3A_190, %parallel_loop3A_444] : memref<26x16xf32, #tpu.memory_space<vmem>> -> memref<1x16xf32, #tpu.memory_space<vmem>>
      %parallel_loop3A_446 = tpu.memref_squeeze %parallel_loop3A_445 : memref<1x16xf32, #tpu.memory_space<vmem>> -> memref<16xf32, #tpu.memory_space<vmem>>
      %parallel_loop3A_447 = tpu.vector_load_idx %parallel_loop3A_446[%parallel_loop3A_443] : memref<16xf32, #tpu.memory_space<vmem>>[vector<16xi32>], vector<16xf32>,
      %parallel_loop3A_448 = arith.index_cast %parallel_loop3A_190 : i32 to index
      %parallel_loop3A_449 = arith.constant 400 : index
      %parallel_loop3A_450 = tpu.vector_load %arg6[%parallel_loop3A_448, %parallel_loop3A_449] {strides = array<i32>} : memref<26x512xf32, #tpu.memory_space<vmem>>, vector<16xf32>,
      tpu.vector_store %arg6[%parallel_loop3A_448, %parallel_loop3A_449], %parallel_loop3A_447 {strides = array<i32>} : memref<26x512xf32, #tpu.memory_space<vmem>>, vector<16xf32>,
      %parallel_loop3A_451 = arith.index_cast %parallel_loop3A_190 : i32 to index
      %parallel_loop3A_452 = arith.constant 416 : index
      %parallel_loop3A_453 = tpu.vector_load %arg5[%parallel_loop3A_451, %parallel_loop3A_452] {strides = array<i32>} : memref<26x512xi32, #tpu.memory_space<vmem>>, vector<16xi32>,
      %parallel_loop3A_454 = arith.constant 0 : i32
      %parallel_loop3A_455 = tpu.memref_slice %arg8[%parallel_loop3A_190, %parallel_loop3A_454] : memref<26x16xf32, #tpu.memory_space<vmem>> -> memref<1x16xf32, #tpu.memory_space<vmem>>
      %parallel_loop3A_456 = tpu.memref_squeeze %parallel_loop3A_455 : memref<1x16xf32, #tpu.memory_space<vmem>> -> memref<16xf32, #tpu.memory_space<vmem>>
      %parallel_loop3A_457 = tpu.vector_load_idx %parallel_loop3A_456[%parallel_loop3A_453] : memref<16xf32, #tpu.memory_space<vmem>>[vector<16xi32>], vector<16xf32>,
      %parallel_loop3A_458 = arith.index_cast %parallel_loop3A_190 : i32 to index
      %parallel_loop3A_459 = arith.constant 416 : index
      %parallel_loop3A_460 = tpu.vector_load %arg6[%parallel_loop3A_458, %parallel_loop3A_459] {strides = array<i32>} : memref<26x512xf32, #tpu.memory_space<vmem>>, vector<16xf32>,
      tpu.vector_store %arg6[%parallel_loop3A_458, %parallel_loop3A_459], %parallel_loop3A_457 {strides = array<i32>} : memref<26x512xf32, #tpu.memory_space<vmem>>, vector<16xf32>,
      %parallel_loop3A_461 = arith.index_cast %parallel_loop3A_190 : i32 to index
      %parallel_loop3A_462 = arith.constant 432 : index
      %parallel_loop3A_463 = tpu.vector_load %arg5[%parallel_loop3A_461, %parallel_loop3A_462] {strides = array<i32>} : memref<26x512xi32, #tpu.memory_space<vmem>>, vector<16xi32>,
      %parallel_loop3A_464 = arith.constant 0 : i32
      %parallel_loop3A_465 = tpu.memref_slice %arg8[%parallel_loop3A_190, %parallel_loop3A_464] : memref<26x16xf32, #tpu.memory_space<vmem>> -> memref<1x16xf32, #tpu.memory_space<vmem>>
      %parallel_loop3A_466 = tpu.memref_squeeze %parallel_loop3A_465 : memref<1x16xf32, #tpu.memory_space<vmem>> -> memref<16xf32, #tpu.memory_space<vmem>>
      %parallel_loop3A_467 = tpu.vector_load_idx %parallel_loop3A_466[%parallel_loop3A_463] : memref<16xf32, #tpu.memory_space<vmem>>[vector<16xi32>], vector<16xf32>,
      %parallel_loop3A_468 = arith.index_cast %parallel_loop3A_190 : i32 to index
      %parallel_loop3A_469 = arith.constant 432 : index
      %parallel_loop3A_470 = tpu.vector_load %arg6[%parallel_loop3A_468, %parallel_loop3A_469] {strides = array<i32>} : memref<26x512xf32, #tpu.memory_space<vmem>>, vector<16xf32>,
      tpu.vector_store %arg6[%parallel_loop3A_468, %parallel_loop3A_469], %parallel_loop3A_467 {strides = array<i32>} : memref<26x512xf32, #tpu.memory_space<vmem>>, vector<16xf32>,
      %parallel_loop3A_471 = arith.index_cast %parallel_loop3A_190 : i32 to index
      %parallel_loop3A_472 = arith.constant 448 : index
      %parallel_loop3A_473 = tpu.vector_load %arg5[%parallel_loop3A_471, %parallel_loop3A_472] {strides = array<i32>} : memref<26x512xi32, #tpu.memory_space<vmem>>, vector<16xi32>,
      %parallel_loop3A_474 = arith.constant 0 : i32
      %parallel_loop3A_475 = tpu.memref_slice %arg8[%parallel_loop3A_190, %parallel_loop3A_474] : memref<26x16xf32, #tpu.memory_space<vmem>> -> memref<1x16xf32, #tpu.memory_space<vmem>>
      %parallel_loop3A_476 = tpu.memref_squeeze %parallel_loop3A_475 : memref<1x16xf32, #tpu.memory_space<vmem>> -> memref<16xf32, #tpu.memory_space<vmem>>
      %parallel_loop3A_477 = tpu.vector_load_idx %parallel_loop3A_476[%parallel_loop3A_473] : memref<16xf32, #tpu.memory_space<vmem>>[vector<16xi32>], vector<16xf32>,
      %parallel_loop3A_478 = arith.index_cast %parallel_loop3A_190 : i32 to index
      %parallel_loop3A_479 = arith.constant 448 : index
      %parallel_loop3A_480 = tpu.vector_load %arg6[%parallel_loop3A_478, %parallel_loop3A_479] {strides = array<i32>} : memref<26x512xf32, #tpu.memory_space<vmem>>, vector<16xf32>,
      tpu.vector_store %arg6[%parallel_loop3A_478, %parallel_loop3A_479], %parallel_loop3A_477 {strides = array<i32>} : memref<26x512xf32, #tpu.memory_space<vmem>>, vector<16xf32>,
      %parallel_loop3A_481 = arith.index_cast %parallel_loop3A_190 : i32 to index
      %parallel_loop3A_482 = arith.constant 464 : index
      %parallel_loop3A_483 = tpu.vector_load %arg5[%parallel_loop3A_481, %parallel_loop3A_482] {strides = array<i32>} : memref<26x512xi32, #tpu.memory_space<vmem>>, vector<16xi32>,
      %parallel_loop3A_484 = arith.constant 0 : i32
      %parallel_loop3A_485 = tpu.memref_slice %arg8[%parallel_loop3A_190, %parallel_loop3A_484] : memref<26x16xf32, #tpu.memory_space<vmem>> -> memref<1x16xf32, #tpu.memory_space<vmem>>
      %parallel_loop3A_486 = tpu.memref_squeeze %parallel_loop3A_485 : memref<1x16xf32, #tpu.memory_space<vmem>> -> memref<16xf32, #tpu.memory_space<vmem>>
      %parallel_loop3A_487 = tpu.vector_load_idx %parallel_loop3A_486[%parallel_loop3A_483] : memref<16xf32, #tpu.memory_space<vmem>>[vector<16xi32>], vector<16xf32>,
      %parallel_loop3A_488 = arith.index_cast %parallel_loop3A_190 : i32 to index
      %parallel_loop3A_489 = arith.constant 464 : index
      %parallel_loop3A_490 = tpu.vector_load %arg6[%parallel_loop3A_488, %parallel_loop3A_489] {strides = array<i32>} : memref<26x512xf32, #tpu.memory_space<vmem>>, vector<16xf32>,
      tpu.vector_store %arg6[%parallel_loop3A_488, %parallel_loop3A_489], %parallel_loop3A_487 {strides = array<i32>} : memref<26x512xf32, #tpu.memory_space<vmem>>, vector<16xf32>,
      %parallel_loop3A_491 = arith.index_cast %parallel_loop3A_190 : i32 to index
      %parallel_loop3A_492 = arith.constant 480 : index
      %parallel_loop3A_493 = tpu.vector_load %arg5[%parallel_loop3A_491, %parallel_loop3A_492] {strides = array<i32>} : memref<26x512xi32, #tpu.memory_space<vmem>>, vector<16xi32>,
      %parallel_loop3A_494 = arith.constant 0 : i32
      %parallel_loop3A_495 = tpu.memref_slice %arg8[%parallel_loop3A_190, %parallel_loop3A_494] : memref<26x16xf32, #tpu.memory_space<vmem>> -> memref<1x16xf32, #tpu.memory_space<vmem>>
      %parallel_loop3A_496 = tpu.memref_squeeze %parallel_loop3A_495 : memref<1x16xf32, #tpu.memory_space<vmem>> -> memref<16xf32, #tpu.memory_space<vmem>>
      %parallel_loop3A_497 = tpu.vector_load_idx %parallel_loop3A_496[%parallel_loop3A_493] : memref<16xf32, #tpu.memory_space<vmem>>[vector<16xi32>], vector<16xf32>,
      %parallel_loop3A_498 = arith.index_cast %parallel_loop3A_190 : i32 to index
      %parallel_loop3A_499 = arith.constant 480 : index
      %parallel_loop3A_500 = tpu.vector_load %arg6[%parallel_loop3A_498, %parallel_loop3A_499] {strides = array<i32>} : memref<26x512xf32, #tpu.memory_space<vmem>>, vector<16xf32>,
      tpu.vector_store %arg6[%parallel_loop3A_498, %parallel_loop3A_499], %parallel_loop3A_497 {strides = array<i32>} : memref<26x512xf32, #tpu.memory_space<vmem>>, vector<16xf32>,
      %parallel_loop3A_501 = arith.index_cast %parallel_loop3A_190 : i32 to index
      %parallel_loop3A_502 = arith.constant 496 : index
      %parallel_loop3A_503 = tpu.vector_load %arg5[%parallel_loop3A_501, %parallel_loop3A_502] {strides = array<i32>} : memref<26x512xi32, #tpu.memory_space<vmem>>, vector<16xi32>,
      %parallel_loop3A_504 = arith.constant 0 : i32
      %parallel_loop3A_505 = tpu.memref_slice %arg8[%parallel_loop3A_190, %parallel_loop3A_504] : memref<26x16xf32, #tpu.memory_space<vmem>> -> memref<1x16xf32, #tpu.memory_space<vmem>>
      %parallel_loop3A_506 = tpu.memref_squeeze %parallel_loop3A_505 : memref<1x16xf32, #tpu.memory_space<vmem>> -> memref<16xf32, #tpu.memory_space<vmem>>
      %parallel_loop3A_507 = tpu.vector_load_idx %parallel_loop3A_506[%parallel_loop3A_503] : memref<16xf32, #tpu.memory_space<vmem>>[vector<16xi32>], vector<16xf32>,
      %parallel_loop3A_508 = arith.index_cast %parallel_loop3A_190 : i32 to index
      %parallel_loop3A_509 = arith.constant 496 : index
      %parallel_loop3A_510 = tpu.vector_load %arg6[%parallel_loop3A_508, %parallel_loop3A_509] {strides = array<i32>} : memref<26x512xf32, #tpu.memory_space<vmem>>, vector<16xf32>,
      tpu.vector_store %arg6[%parallel_loop3A_508, %parallel_loop3A_509], %parallel_loop3A_507 {strides = array<i32>} : memref<26x512xf32, #tpu.memory_space<vmem>>, vector<16xf32>,
    } {sc.loop_unroll_factor = 1 : i64, sc.parallel_access}
    "tpu.trace_stop"() : () -> ()
    "tpu.trace_start"() <{level = 10 : i32, message = "dma_out"}> : () -> ()
    "tpu.region"() ({
      %run_scoped3A = tpu.sem_alloc : memref<!tpu.dma_semaphore, #tpu.memory_space<semaphore_mem>>
      %dma_start3A_190 = arith.constant 0 : i32
      %dma_start3A_191 = tpu.memref_slice %arg4[%dma_start3A_190, %mul3A_2] : memref<26x16384xf32, #tpu.memory_space<hbm>> -> memref<26x512xf32, #tpu.memory_space<hbm>>
      %dma_start3A_192 = arith.constant 0 : i32
      %dma_start3A_193 = tpu.memref_slice %arg4[%dma_start3A_192, %mul3A_2] : memref<26x16384xf32, #tpu.memory_space<hbm>> -> memref<26x512xf32, #tpu.memory_space<hbm>>
      tpu.enqueue_dma source(%arg6 : memref<26x512xf32, #tpu.memory_space<vmem>>) target(%dma_start3A_193 : memref<26x512xf32, #tpu.memory_space<hbm>>) target_semaphore(%run_scoped3A : memref<!tpu.dma_semaphore, #tpu.memory_space<semaphore_mem>>)
      %dma_wait3A_194 = arith.constant 0 : i32
      %dma_wait3A_195 = tpu.memref_slice %arg4[%dma_wait3A_194, %mul3A_2] : memref<26x16384xf32, #tpu.memory_space<hbm>> -> memref<26x512xf32, #tpu.memory_space<hbm>>
      %dma_wait3A_196 = arith.constant 0 : i32
      %dma_wait3A_197 = tpu.memref_slice %arg4[%dma_wait3A_196, %mul3A_2] : memref<26x16384xf32, #tpu.memory_space<hbm>> -> memref<26x512xf32, #tpu.memory_space<hbm>>
      tpu.wait_dma2 semaphore(%run_scoped3A : memref<!tpu.dma_semaphore, #tpu.memory_space<semaphore_mem>>) src(%arg6 : memref<26x512xf32, #tpu.memory_space<vmem>>) dst(%dma_wait3A_197 : memref<26x512xf32, #tpu.memory_space<hbm>>)
      tpu.yield
    }) : () -> ()
    "tpu.trace_stop"() : () -> ()
    return
  }
}

</mosaic_0001>

<sc_bundles>
// kernel: kernel.3.cloned.1.call-start
scs
__scs_entry_jumppad:
0x0: {  	(pc) =	sbr.rel $0x88, $3  }
0x1: {  	(tag) =	ssettag $0x0;
	lr =	simm.s32 $0x1  }
0x2: {  	[smem:$0x3F9F] =	sst lr;
	_ =	strace $0xD0000000  }
0x3: {  	_ = 	snop  }
0x4: {  	_ = 	snop  }
0x5: {  	_ = 	snop  }
0x6: {  	_ = 	snop  }
0x7: {  	_ = 	snop  }
__scs_overlays_trampoline_lowered:
0x8: {  	[smem:$0x3FAE] =	sst s0  }
0x9: {  	[smem:$0x3FAF] =	sst s1  }
0xa: {  	[smem:$0x3FB0] =	sst s2  }
0xb: {  	[smem:$0x3FB1] =	sst s3  }
0xc: {  	[smem:$0x3FB2] =	sst s4  }
0xd: {  	[smem:$0x3FB3] =	sst s5  }
0xe: {  	[smem:$0x3FB4] =	sst s6  }
0xf: {  	[smem:$0x3FB5] =	sst s7  }
0x10: {  	[smem:$0x3FB6] =	sst s8  }
0x11: {  	[smem:$0x3FB7] =	sst s9;
	s0 =	simm.s32 @!p0 $0x0  }
0x12: {  	s1 =	sld [smem:$0x3F9D];
	s0 =	simm.s32 @p0 $0x1  }
0x13: {  	[smem:$0x3FB8] =	sst s0;
	s0 =	simm.s32 @!p1 $0x0  }
0x14: {  	s2 =	sld [smem:$0x3F9C];
	s0 =	simm.s32 @p1 $0x1  }
0x15: {  	[smem:$0x3FB9] =	sst s0;
	s0 =	simm.s32 @!p2 $0x0  }
0x16: {  	s3 =	sld [smem:$0x3FDB];
	s0 =	simm.s32 @p2 $0x1  }
0x17: {  	s4 =	simm.s32 $0x1BF5;
	[smem:$0x3FBB] =	sst s0  }
0x18: {  	s0 =	sld [smem:$0x3F9E];
	_ =	swait.ge [sflag:s4], $0x0  }
0x19: {  	s7 =	sld [smem:$0x3F9F]  }
0x1a: {  	s8 =	sadd.s32 $0xFFFFE003, lr  }
0x1b: {  	s9 =	sadd.s32 $0xFFFFFEF7, lr;
	s5 =	simm.s32 $0xFFFFFFFF;
	p2 =	slt.u32 s8, $0xFFFFF086  }
0x1c: {  	p1 =	slt.u32 s9, $0xF7A;
	s5 =	simm.s32 @!p2 $0x0  }
0x1d: {  	s5 =	simm.s32 @p1 $0x1;
	p0 =	seq.s32 s7, s2  }
0x1e: {  	s7 =	smul.u32 @!p0 $0xF7A, s2;
	p2 =	seq.s32 @!p0 s5, $0x0  }
0x1f: {  	s9 =	smul.u32 $0xF7A, s1;
	s8 =	simm.s32 @!p0 $0x1BF5;
	p2 =	por !p2, p0  }
0x20: {  	[sflag:s8] =	ssyncset.s32 @!p0 $0xFFFFF086;
	s6 =	sadd.s32 @!p0 s3, s7;
	s7 =	simm.s32 @!p0 $0x108  }
0x21: {  	s3 =	sadd.s32 s3, s9;
	s6 =	sadd.s32 @!p0 $0x88, s6;
	s7 =	simm.s32 @p2 $0x1082  }
0x22: {  	[simem:s7], [sflag:s8] =	dma.local @!p0 [hbm:s6], $0xF7A  }
0x23: {  	s9 =	sor.u32 $0xD0000000, s2;
	s6 =	simm.s32 $0x108;
	_ =	swait.ge @!p0 [sflag:s8], $0x0  }
0x24: {  	s3 =	sadd.s32 $0x88, s3;
	s6 =	simm.s32 @!p1 $0x1082;
	[sflag:s4] =	ssyncset.s32 $0xFFFFF086  }
0x25: {  	[simem:s6], [sflag:s4] =	dma.local [hbm:s3], $0xF7A  }
0x26: {  	[smem:$0x3F9F] =	sst s1;
	(tag) =	ssettag s2;
	_ =	strace s9  }
0x27: {  	s1 =	sld [smem:$0x3FAF]  }
0x28: {  	s2 =	sld [smem:$0x3FB0]  }
0x29: {  	s4 =	sld [smem:$0x3FB2]  }
0x2a: {  	p0 =	seq.s32 s5, $0x0;
	s5 =	sld [smem:$0x3FB3]  }
0x2b: {  	s6 =	sld [smem:$0x3FB4]  }
0x2c: {  	s7 =	sld [smem:$0x3FB5]  }
0x2d: {  	s3 =	simm.s32 $0x108;
	s8 =	sld [smem:$0x3FB6]  }
0x2e: {  	s3 =	simm.s32 @!p0 $0x1082;
	s9 =	sld [smem:$0x3FB7]  }
0x2f: {  	lr =	sadd.s32 s0, s3;
	s0 =	sld [smem:$0x3FAE]  }
0x30: {  	s3 =	sld [smem:$0x3FB1]  }
0x31: {  	[smem:$0x3FBA] =	sst s10  }
0x32: {  	s10 =	sld [smem:$0x3FB8];
	_ =	sdelay $0x3  }
0x33: {  	p0 =	seq.s32 s10, $0x1;
	s10 =	sld [smem:$0x3FBA];
	_ =	sdelay $0x3  }
0x34: {  	[smem:$0x3FBA] =	sst s10  }
0x35: {  	s10 =	sld [smem:$0x3FB9];
	_ =	sdelay $0x3  }
0x36: {  	p1 =	seq.s32 s10, $0x1;
	s10 =	sld [smem:$0x3FBA];
	_ =	sdelay $0x3  }
0x37: {  	[smem:$0x3FBA] =	sst s10  }
0x38: {  	s10 =	sld [smem:$0x3FBB]  }
0x39: {  	_ = 	snop;
	(pc) =	sbr.ind lr, $3  }
0x3a: {  	_ = 	snop  }
0x3b: {  	_ = 	snop  }
0x3c: {  	p2 =	seq.s32 s10, $0x1;
	s10 =	sld [smem:$0x3FBA]  }
0x3d: {  	_ =	shalt  }
0x3e: {  	_ =	shalt  }
0x3f: {  	_ =	shalt  }
0x40: {  	_ =	shalt  }
0x41: {  	_ =	shalt  }
0x42: {  	_ =	shalt  }
0x43: {  	_ =	shalt  }
0x44: {  	_ =	shalt  }
0x45: {  	_ =	shalt  }
0x46: {  	_ =	shalt  }
0x47: {  	_ =	shalt  }
0x48: {  	_ =	shalt  }
0x49: {  	_ =	shalt  }
0x4a: {  	_ =	shalt  }
0x4b: {  	_ =	shalt  }
0x4c: {  	_ =	shalt  }
0x4d: {  	_ =	shalt  }
0x4e: {  	_ =	shalt  }
0x4f: {  	_ =	shalt  }
0x50: {  	_ =	shalt  }
0x51: {  	_ =	shalt  }
0x52: {  	_ =	shalt  }
0x53: {  	_ =	shalt  }
0x54: {  	_ =	shalt  }
0x55: {  	_ =	shalt  }
0x56: {  	_ =	shalt  }
0x57: {  	_ =	shalt  }
0x58: {  	_ =	shalt  }
0x59: {  	_ =	shalt  }
0x5a: {  	_ =	shalt  }
0x5b: {  	_ =	shalt  }
0x5c: {  	_ =	shalt  }
0x5d: {  	_ =	shalt  }
0x5e: {  	_ =	shalt  }
0x5f: {  	_ =	shalt  }
0x60: {  	_ =	shalt  }
0x61: {  	_ =	shalt  }
0x62: {  	_ =	shalt  }
0x63: {  	_ =	shalt  }
0x64: {  	_ =	shalt  }
0x65: {  	_ =	shalt  }
0x66: {  	_ =	shalt  }
0x67: {  	_ =	shalt  }
0x68: {  	_ =	shalt  }
0x69: {  	_ =	shalt  }
0x6a: {  	_ =	shalt  }
0x6b: {  	_ =	shalt  }
0x6c: {  	_ =	shalt  }
0x6d: {  	_ =	shalt  }
0x6e: {  	_ =	shalt  }
0x6f: {  	_ =	shalt  }
0x70: {  	_ =	shalt  }
0x71: {  	_ =	shalt  }
0x72: {  	_ =	shalt  }
0x73: {  	_ =	shalt  }
0x74: {  	_ =	shalt  }
0x75: {  	_ =	shalt  }
0x76: {  	_ =	shalt  }
0x77: {  	_ =	shalt  }
0x78: {  	_ =	shalt  }
0x79: {  	_ =	shalt  }
0x7a: {  	_ =	shalt  }
0x7b: {  	_ =	shalt  }
0x7c: {  	_ =	shalt  }
0x7d: {  	_ =	shalt  }
0x7e: {  	_ =	shalt  }
0x7f: {  	_ =	shalt  }
0x80: {  	_ =	shalt  }
0x81: {  	_ =	shalt  }
0x82: {  	_ =	shalt  }
0x83: {  	_ =	shalt  }
0x84: {  	_ =	shalt  }
0x85: {  	_ =	shalt  }
0x86: {  	_ =	shalt  }
0x87: {  	_ =	shalt  }
.Lfunc_end0:
.L_simem_size_0:
called_computation_lowered:
.L_overlay_start_0:
0x88: {  	s2 =	sld [smem:$0x3FD9]  }
0x89: {  	s3 =	sld [smem:$0x3FFE];
	_ =	sdelay $0x1  }
0x8a: {  	s1 =	srdreg.scid  }
0x8b: {  	s0 =	sand.u32 $0x1, s1  }
0x8c: {  	s18 =	sshll.u32 s0, $0xA;
	s2 =	sadd.s32 s3, s2  }
0x8d: {  	s2 =	sadd.s32 s2, s18  }
0x8e: {  	[smem:$0x3FC6] =	sst s2  }
0x8f: {  	_ = 	snop  }
0x90: {  	s2 =	sld [smem:$0x3FC9]  }
0x91: {  	s19 =	sld [smem:$0x3FC8]  }
0x92: {  	s4 =	sld [smem:$0x3FD0];
	(tm) =	ssettm $0x1  }
0x93: {  	s5 =	sld [smem:$0x3FFB];
	_ =	sdelay $0x3  }
0x94: {  	_ =	strace s5  }
0x95: {  	s5 =	sld [smem:$0x3FFC];
	_ =	sdelay $0x3  }
0x96: {  	_ =	strace s5  }
0x97: {  	s5 =	sld [smem:$0x3FFD];
	_ =	sdelay $0x3  }
0x98: {  	_ =	strace s5  }
0x99: {  	_ =	strace $0x8FFFFFFF  }
0x9a: {  	s20 =	sld [smem:$0x3FDB];
	_ =	sdelay $0x1  }
0x9b: {  	s6 =	simm.s32 $_scs_section_size  }
0x9c: {  	s7 =	simm.s32 $_size__tile_overlayer_lowered;
	s8 =	simm.s32 $_tile_overlayer_lowered  }
0x9d: {  	s23 =	simm.s32 $0x1BFF;
	s22 =	sshll.u32 s8, $0x1;
	s5 =	sadd.s32 s6, s20  }
0x9e: {  	s9 =	simm.s32 $0x0;
	s21 =	sshll.u32 s7, $0x1;
	s7 =	sadd.s32 s22, s5  }
0x9f: {  	[timem:s9], [sflag:s23] =	dma.local [hbm:s7], s21  }
0xa0: {  	_ =	swait.ge [sflag:s23], s21  }
0xa1: {  	s6 =	ssub.s32 $0x0, s21;
	[sflag:s23] =	ssyncset.done $0x0  }
0xa2: {  	[sflag:s23] =	ssyncadd.s32 s6;
	_ =	sdelay $0x1  }
0xa3: {  	s24 =	simm.s32 $0x1B8B  }
0xa4: {  	_ =	swait.ge [sflag:s24], $0x1  }
0xa5: {  	[sflag:s24] =	ssyncset.done $0x0  }
0xa6: {  	s25 =	simm.s32 $0x1B8E;
	[sflag:s24] =	ssyncadd.s32 $0xFFFFFFFF  }
0xa7: {  	s26 =	simm.s32 $execute0_lowered;
	[smem:$0x3FD2] =	sst s25  }
0xa8: {  	s6 =	sshll.u32 s26, $0x1;
	_ =	strace $0x80000046;
	[dreg:$0x1] =	wrdreg $0xFFFFFFFF  }
0xa9: {  	s28 =	simm.s32 $_size_execute0_lowered;
	s5 =	sadd.s32 s5, s6;
	[dreg:$0x0] =	wrdreg $0x0  }
0xaa: {  	s6 =	sshll.u32 s28, $0x1;
	[dreg:$0x2] =	wrdreg s5  }
0xab: {  	[dreg:$0x3] =	wrdreg s6  }
0xac: {  	[dreg:$0x4] =	wrdreg $0xC0  }
0xad: {  	_ =	task [dreg:s9], $0x5FFFF  }
0xae: {  	[dreg:$0x1] =	wrdreg $0xFFFFFFFF  }
0xaf: {  	[dreg:$0x0] =	wrdreg $0x60  }
0xb0: {  	[dreg:$0x2] =	wrdreg s2  }
0xb1: {  	[dreg:$0x3] =	wrdreg s19  }
0xb2: {  	[dreg:$0x4] =	wrdreg s4  }
0xb3: {  	[dreg:$0x5] =	wrdreg $0x9  }
0xb4: {  	_ =	task.clear_ibuf [dreg:s9], $0x6FFFF;
	_ =	strace $0x90000046  }
0xb5: {  	s29 =	simm.s32 $0x9;
	_ =	strace $0x8000004D  }
0xb6: {  	_ =	swait.ge [sflag:s29], $0x1  }
0xb7: {  	[sflag:s29] =	ssyncadd.s32 $0xFFFFFFFF  }
0xb8: {  	_ =	strace $0x9000004D  }
0xb9: {  	_ =	sfence  }
0xba: {  	s30 =	sld [smem:$0x0];
	_ =	sdelay $0x2  }
0xbb: {  	s31 =	sshll.u32 s1, $0xD;
	s1 =	sshrl.u32 s1, $0x2  }
0xbc: {  	s3 =	sand.u32 $0x4000, s31;
	s1 =	sadd.s32 s1, s30  }
0xbd: {  	s0 =	sor.u32 s3, s0;
	s1 =	sshll.u32 s1, $0x11  }
0xbe: {  	s0 =	sor.u32 s1, s0  }
0xbf: {  	s0 =	sadd.s32 $0x8F2B, s0  }
0xc0: {  	[sflag:s0] =	ssyncadd.remote.s32 $0x1  }
0xc1: {  	_ =	sfence.sel $0xFFFF  }
0xc2: {  	[dreg:$0x0] =	wrdreg $0xFFFFFFFF;
	(pc) =	sbr.abs _section_cstart, $3  }
0xc3: {  	[dreg:$0x1] =	wrdreg $0xFFFFFFFF  }
0xc4: {  	_ =	task.clear_ibuf [dreg:s9], $0x2FFFF;
	_ =	strace $0x9FFFFFFF  }
0xc5: {  	(tm) =	ssettm $0x7FFFFFFF  }
tec
execute0_lowered:
.L_overlay_start_1:
0x0: {  	(tag) =	ssettag $0x1  }
0x1: {  	v0 =	vlaneseq.u32  }
0x2: {  	s4 =	rddreg [dreg:$0x0];
	v0 =	vmul.u32 $0x80, v0  }
0x3: {  	s1 =	rddreg [dreg:$0x1]  }
0x4: {  	s5 =	rddreg [dreg:$0x2];
	v1 =	vor.u32 $0x1, v0  }
0x5: {  	s0 =	rddreg [dreg:$0x3];
	s2 =	simm.s32 $0x0;
	s6 =	srdreg.scid;
	v2 =	vor.u32 $0x2, v0;
	v3 =	vor.u32 $0x3, v0;
	v4 =	vor.u32 $0x4, v0  }
0x6: {  	s3 =	stileid.u32;
	s10 =	simm.s32 $0x1;
	s11 =	simm.s32 $0x2;
	v5 =	vor.u32 $0x5, v0;
	v6 =	vor.u32 $0x6, v0;
	v7 =	vor.u32 $0x7, v0  }
0x7: {  	s12 =	simm.s32 $0x4000;
	s13 =	simm.s32 $0x3;
	s14 =	simm.s32 $0x0;
	v8 =	vor.u32 $0x8, v0;
	v9 =	vor.u32 $0x9, v0;
	v10 =	vor.u32 $0xA, v0  }
0x8: {  	[smem:$0x7FF] =	sst s2;
	s6 =	sand.u32 $0x1, s6;
	s8 =	sshll.u32 s3, $0xA;
	v11 =	vor.u32 $0xB, v0;
	v12 =	vor.u32 $0xC, v0;
	v13 =	vor.u32 $0xD, v0  }
0x9: {  	s7 =	ssub.s32 $0x2, s6;
	s6 =	sshll.u32 s6, $0x9;
	_ =	strace $0x80000047;
	v14 =	vor.u32 $0xE, v0;
	v15 =	vor.u32 $0xF, v0;
	v16 =	vor.u32 $0x10, v0  }
0xa: {  	s9 =	sshrl.u32 s7, $0x1;
	s6 =	sor.u32 s6, s8;
	s8 =	simm.s32 $0x1000;
	v17 =	vor.u32 $0x11, v0;
	v18 =	vor.u32 $0x12, v0;
	v19 =	vor.u32 $0x13, v0  }
0xb: {  	v20 =	vor.u32 $0x14, v0;
	v21 =	vor.u32 $0x15, v0;
	v22 =	vor.u32 $0x16, v0;
	s7 =	ssub.s32 s7, s9;
	s4 =	sadd.s32 s4, s6;
	s5 =	sadd.s32 s5, s6  }
0xc: {  	v23 =	vor.u32 $0x17, v0;
	v24 =	vor.u32 $0x18, v0;
	v25 =	vor.u32 $0x19, v0;
	s9 =	simm.s32 $0x20000;
	s6 =	smax.u32 s7, $0x1;
	s7 =	simm.s32 $0x8000  }
.LBB2_1:
0xd: {  	_ =	strace $0x80000048  }
0xe: {  	[tilespmem:s7], [sflag:$0x1] =	stream.linear.gather [hbm4b:s1+s2], $0x800, $0x200038;
	[tilespmem:$0x9800] =	vst v63  }
0xf: {  	_ = 	snop  }
0x10: {  	[tilespmem:s2], [sflag:$0x2] =	stream.strided.gather [hbm4b:s4+s8], $0x4000, s9, s8, $0x200038;
	[tilespmem:$0x9800] =	vst v63  }
0x11: {  	_ =	strace $0x90000048  }
0x12: {  	_ =	strace $0x80000049  }
0x13: {  	_ =	swait.ge [sflag:s10], $0x800  }
0x14: {  	[sflag:s10] =	ssyncset.done $0x0  }
0x15: {  	[sflag:s10] =	ssyncadd.s32 $0xFFFFF800  }
0x16: {  	v26 =	vld.idx.msk [tilespmem:v0+s7+$0x0], $0xffff;
	_ =	sdelay $0x4  }
0x17: {  	[tilespmem:$0x8800] =	vst v26  }
0x18: {  	v26 =	vld.idx.msk [tilespmem:v1+s7+$0x0], $0xffff;
	_ =	sdelay $0x4  }
0x19: {  	[tilespmem:$0x8880] =	vst v26  }
0x1a: {  	v26 =	vld.idx.msk [tilespmem:v2+s7+$0x0], $0xffff;
	_ =	sdelay $0x4  }
0x1b: {  	[tilespmem:$0x8900] =	vst v26  }
0x1c: {  	v26 =	vld.idx.msk [tilespmem:v3+s7+$0x0], $0xffff;
	_ =	sdelay $0x4  }
0x1d: {  	[tilespmem:$0x8980] =	vst v26  }
0x1e: {  	v26 =	vld.idx.msk [tilespmem:v4+s7+$0x0], $0xffff;
	_ =	sdelay $0x4  }
0x1f: {  	[tilespmem:$0x8A00] =	vst v26  }
0x20: {  	v26 =	vld.idx.msk [tilespmem:v5+s7+$0x0], $0xffff;
	_ =	sdelay $0x4  }
0x21: {  	[tilespmem:$0x8A80] =	vst v26  }
0x22: {  	v26 =	vld.idx.msk [tilespmem:v6+s7+$0x0], $0xffff;
	_ =	sdelay $0x4  }
0x23: {  	[tilespmem:$0x8B00] =	vst v26  }
0x24: {  	v26 =	vld.idx.msk [tilespmem:v7+s7+$0x0], $0xffff;
	_ =	sdelay $0x4  }
0x25: {  	[tilespmem:$0x8B80] =	vst v26  }
0x26: {  	v26 =	vld.idx.msk [tilespmem:v8+s7+$0x0], $0xffff;
	_ =	sdelay $0x4  }
0x27: {  	[tilespmem:$0x8C00] =	vst v26  }
0x28: {  	v26 =	vld.idx.msk [tilespmem:v9+s7+$0x0], $0xffff;
	_ =	sdelay $0x4  }
0x29: {  	[tilespmem:$0x8C80] =	vst v26  }
0x2a: {  	v26 =	vld.idx.msk [tilespmem:v10+s7+$0x0], $0xffff;
	_ =	sdelay $0x4  }
0x2b: {  	[tilespmem:$0x8D00] =	vst v26  }
0x2c: {  	v26 =	vld.idx.msk [tilespmem:v11+s7+$0x0], $0xffff;
	_ =	sdelay $0x4  }
0x2d: {  	[tilespmem:$0x8D80] =	vst v26  }
0x2e: {  	v26 =	vld.idx.msk [tilespmem:v12+s7+$0x0], $0xffff;
	_ =	sdelay $0x4  }
0x2f: {  	[tilespmem:$0x8E00] =	vst v26  }
0x30: {  	v26 =	vld.idx.msk [tilespmem:v13+s7+$0x0], $0xffff;
	_ =	sdelay $0x4  }
0x31: {  	[tilespmem:$0x8E80] =	vst v26  }
0x32: {  	v26 =	vld.idx.msk [tilespmem:v14+s7+$0x0], $0xffff;
	_ =	sdelay $0x4  }
0x33: {  	[tilespmem:$0x8F00] =	vst v26  }
0x34: {  	v26 =	vld.idx.msk [tilespmem:v15+s7+$0x0], $0xffff;
	_ =	sdelay $0x4  }
0x35: {  	[tilespmem:$0x8F80] =	vst v26  }
0x36: {  	v26 =	vld.idx.msk [tilespmem:v16+s7+$0x0], $0xffff;
	_ =	sdelay $0x4  }
0x37: {  	[tilespmem:$0x9000] =	vst v26  }
0x38: {  	v26 =	vld.idx.msk [tilespmem:v17+s7+$0x0], $0xffff;
	_ =	sdelay $0x4  }
0x39: {  	[tilespmem:$0x9080] =	vst v26  }
0x3a: {  	v26 =	vld.idx.msk [tilespmem:v18+s7+$0x0], $0xffff;
	_ =	sdelay $0x4  }
0x3b: {  	[tilespmem:$0x9100] =	vst v26  }
0x3c: {  	v26 =	vld.idx.msk [tilespmem:v19+s7+$0x0], $0xffff;
	_ =	sdelay $0x4  }
0x3d: {  	[tilespmem:$0x9180] =	vst v26  }
0x3e: {  	v26 =	vld.idx.msk [tilespmem:v20+s7+$0x0], $0xffff;
	_ =	sdelay $0x4  }
0x3f: {  	[tilespmem:$0x9200] =	vst v26  }
0x40: {  	v26 =	vld.idx.msk [tilespmem:v21+s7+$0x0], $0xffff;
	_ =	sdelay $0x4  }
0x41: {  	[tilespmem:$0x9280] =	vst v26  }
0x42: {  	v26 =	vld.idx.msk [tilespmem:v22+s7+$0x0], $0xffff;
	_ =	sdelay $0x4  }
0x43: {  	[tilespmem:$0x9300] =	vst v26  }
0x44: {  	v26 =	vld.idx.msk [tilespmem:v23+s7+$0x0], $0xffff;
	_ =	sdelay $0x4  }
0x45: {  	[tilespmem:$0x9380] =	vst v26  }
0x46: {  	v26 =	vld.idx.msk [tilespmem:v24+s7+$0x0], $0xffff;
	_ =	sdelay $0x4  }
0x47: {  	[tilespmem:$0x9400] =	vst v26  }
0x48: {  	v26 =	vld.idx.msk [tilespmem:v25+s7+$0x0], $0xffff;
	_ =	sdelay $0x4  }
0x49: {  	[tilespmem:$0x9480] =	vst v26  }
0x4a: {  	_ =	strace $0x90000049  }
0x4b: {  	_ =	strace $0x8000004A  }
0x4c: {  	_ =	swait.ge [sflag:s11], $0x4000  }
0x4d: {  	[sflag:s11] =	ssyncset.done $0x0  }
0x4e: {  	[sflag:s11] =	ssyncadd.s32 $0xFFFFC000  }
0x4f: {  	s15 =	sand.u32 $0x3000, s2;
	s16 =	sand.u32 $0x380, s2;
	_ =	strace $0x9000004A  }
0x50: {  	s15 =	sor.u32 s16, s15;
	_ =	strace $0x8000004B  }
0x51: {  	v26 =	vld [tilespmem:s15+$0x0];
	_ =	sdelay $0x5  }
0x52: {  	v27 =	vld [tilespmem:s15+$0x10]  }
0x53: {  	s16 =	simm.s32 $0x0  }
0x54: {  	v26 =	vld.idx.msk [tilespmem:v26+s16+$0x8800], $0xffff;
	_ =	sdelay $0x3  }
0x55: {  	v28 =	vld [tilespmem:s15+$0x20]  }
0x56: {  	[tilespmem:s15+$0x4000] =	vst v26  }
0x57: {  	v26 =	vld.idx.msk [tilespmem:v27+s16+$0x8800], $0xffff;
	_ =	sdelay $0x3  }
0x58: {  	v27 =	vld [tilespmem:s15+$0x30]  }
0x59: {  	[tilespmem:s15+$0x4010] =	vst v26  }
0x5a: {  	v26 =	vld.idx.msk [tilespmem:v28+s16+$0x8800], $0xffff;
	_ =	sdelay $0x3  }
0x5b: {  	v28 =	vld [tilespmem:s15+$0x40]  }
0x5c: {  	[tilespmem:s15+$0x4020] =	vst v26  }
0x5d: {  	v26 =	vld.idx.msk [tilespmem:v27+s16+$0x8800], $0xffff;
	_ =	sdelay $0x3  }
0x5e: {  	v27 =	vld [tilespmem:s15+$0x50]  }
0x5f: {  	[tilespmem:s15+$0x4030] =	vst v26  }
0x60: {  	v26 =	vld.idx.msk [tilespmem:v28+s16+$0x8800], $0xffff;
	_ =	sdelay $0x3  }
0x61: {  	v28 =	vld [tilespmem:s15+$0x60]  }
0x62: {  	[tilespmem:s15+$0x4040] =	vst v26  }
0x63: {  	v26 =	vld.idx.msk [tilespmem:v27+s16+$0x8800], $0xffff;
	_ =	sdelay $0x3  }
0x64: {  	v27 =	vld [tilespmem:s15+$0x70]  }
0x65: {  	[tilespmem:s15+$0x4050] =	vst v26  }
0x66: {  	v26 =	vld.idx.msk [tilespmem:v28+s16+$0x8800], $0xffff;
	_ =	sdelay $0x3  }
0x67: {  	v28 =	vld [tilespmem:s15+$0x400]  }
0x68: {  	[tilespmem:s15+$0x4060] =	vst v26  }
0x69: {  	v26 =	vld.idx.msk [tilespmem:v27+s16+$0x8800], $0xffff;
	_ =	sdelay $0x1  }
0x6a: {  	s17 =	simm.s32 $0x200;
	s18 =	simm.s32 $0x80  }
0x6b: {  	s17 =	sand.u32 $0x3000, s17;
	s18 =	sand.u32 $0x380, s18  }
0x6c: {  	s17 =	sor.u32 s18, s17;
	v27 =	vld [tilespmem:s15+$0x410]  }
0x6d: {  	v29 =	vld [tilespmem:s17+$0x0];
	[tilespmem:s15+$0x4070] =	vst v26  }
0x6e: {  	v26 =	vld.idx.msk [tilespmem:v28+s16+$0x8800], $0xffff;
	_ =	sdelay $0x3  }
0x6f: {  	v28 =	vld [tilespmem:s15+$0x420]  }
0x70: {  	v30 =	vld [tilespmem:s17+$0x10];
	[tilespmem:s15+$0x4400] =	vst v26  }
0x71: {  	s18 =	simm.s32 $0x80;
	v26 =	vld.idx.msk [tilespmem:v27+s16+$0x8800], $0xffff  }
0x72: {  	v27 =	vld.idx.msk [tilespmem:v29+s18+$0x8800], $0xffff;
	_ =	sdelay $0x2  }
0x73: {  	v29 =	vld [tilespmem:s15+$0x430]  }
0x74: {  	v31 =	vld [tilespmem:s17+$0x20];
	[tilespmem:s15+$0x4410] =	vst v26  }
0x75: {  	[tilespmem:s17+$0x4000] =	vst v27;
	v26 =	vld.idx.msk [tilespmem:v28+s16+$0x8800], $0xffff  }
0x76: {  	v27 =	vld.idx.msk [tilespmem:v30+s18+$0x8800], $0xffff;
	_ =	sdelay $0x2  }
0x77: {  	v28 =	vld [tilespmem:s15+$0x440]  }
0x78: {  	v30 =	vld [tilespmem:s17+$0x30];
	[tilespmem:s15+$0x4420] =	vst v26  }
0x79: {  	[tilespmem:s17+$0x4010] =	vst v27;
	v26 =	vld.idx.msk [tilespmem:v29+s16+$0x8800], $0xffff  }
0x7a: {  	v27 =	vld.idx.msk [tilespmem:v31+s18+$0x8800], $0xffff;
	_ =	sdelay $0x2  }
0x7b: {  	v29 =	vld [tilespmem:s15+$0x450]  }
0x7c: {  	v31 =	vld [tilespmem:s17+$0x40];
	[tilespmem:s15+$0x4430] =	vst v26  }
0x7d: {  	[tilespmem:s17+$0x4020] =	vst v27;
	v26 =	vld.idx.msk [tilespmem:v28+s16+$0x8800], $0xffff  }
0x7e: {  	v27 =	vld.idx.msk [tilespmem:v30+s18+$0x8800], $0xffff;
	_ =	sdelay $0x2  }
0x7f: {  	v28 =	vld [tilespmem:s15+$0x460]  }
0x80: {  	v30 =	vld [tilespmem:s17+$0x50];
	[tilespmem:s15+$0x4440] =	vst v26  }
0x81: {  	[tilespmem:s17+$0x4030] =	vst v27;
	v26 =	vld.idx.msk [tilespmem:v29+s16+$0x8800], $0xffff  }
0x82: {  	v27 =	vld.idx.msk [tilespmem:v31+s18+$0x8800], $0xffff;
	_ =	sdelay $0x2  }
0x83: {  	v29 =	vld [tilespmem:s15+$0x470]  }
0x84: {  	v31 =	vld [tilespmem:s17+$0x60];
	[tilespmem:s15+$0x4450] =	vst v26  }
0x85: {  	[tilespmem:s17+$0x4040] =	vst v27;
	v26 =	vld.idx.msk [tilespmem:v28+s16+$0x8800], $0xffff  }
0x86: {  	v27 =	vld.idx.msk [tilespmem:v30+s18+$0x8800], $0xffff;
	_ =	sdelay $0x2  }
0x87: {  	v28 =	vld [tilespmem:s15+$0x800]  }
0x88: {  	s19 =	simm.s32 $0x400;
	s20 =	simm.s32 $0x100;
	v30 =	vld [tilespmem:s17+$0x70];
	[tilespmem:s15+$0x4460] =	vst v26  }
0x89: {  	s19 =	sand.u32 $0x3000, s19;
	s20 =	sand.u32 $0x380, s20;
	[tilespmem:s17+$0x4050] =	vst v27;
	v26 =	vld.idx.msk [tilespmem:v29+s16+$0x8800], $0xffff  }
0x8a: {  	s19 =	sor.u32 s20, s19;
	v27 =	vld.idx.msk [tilespmem:v31+s18+$0x8800], $0xffff  }
0x8b: {  	v32 =	vld [tilespmem:s19+$0x0]  }
0x8c: {  	v33 =	vld [tilespmem:s19+$0x10]  }
0x8d: {  	v29 =	vld [tilespmem:s15+$0x810]  }
0x8e: {  	v31 =	vld [tilespmem:s17+$0x400];
	[tilespmem:s15+$0x4470] =	vst v26  }
0x8f: {  	[tilespmem:s17+$0x4060] =	vst v27;
	v26 =	vld.idx.msk [tilespmem:v28+s16+$0x8800], $0xffff  }
0x90: {  	v27 =	vld.idx.msk [tilespmem:v30+s18+$0x8800], $0xffff  }
0x91: {  	v56 =	vld [tilespmem:s17+$0x430]  }
0x92: {  	v34 =	vld [tilespmem:s19+$0x20]  }
0x93: {  	v28 =	vld [tilespmem:s15+$0x820]  }
0x94: {  	v30 =	vld [tilespmem:s17+$0x410];
	[tilespmem:s15+$0x4800] =	vst v26  }
0x95: {  	[tilespmem:s17+$0x4070] =	vst v27;
	v26 =	vld.idx.msk [tilespmem:v29+s16+$0x8800], $0xffff  }
0x96: {  	v27 =	vld.idx.msk [tilespmem:v31+s18+$0x8800], $0xffff  }
0x97: {  	v57 =	vld [tilespmem:s19+$0x30]  }
0x98: {  	v58 =	vld [tilespmem:s17+$0x450]  }
0x99: {  	v29 =	vld [tilespmem:s15+$0x830]  }
0x9a: {  	v31 =	vld [tilespmem:s17+$0x420];
	[tilespmem:s15+$0x4810] =	vst v26  }
0x9b: {  	[tilespmem:s17+$0x4400] =	vst v27;
	v26 =	vld.idx.msk [tilespmem:v28+s16+$0x8800], $0xffff  }
0x9c: {  	s20 =	simm.s32 $0x100;
	v27 =	vld.idx.msk [tilespmem:v30+s18+$0x8800], $0xffff  }
0x9d: {  	v28 =	vld.idx.msk [tilespmem:v32+s20+$0x8800], $0xffff  }
0x9e: {  	v59 =	vld [tilespmem:s19+$0x40]  }
0x9f: {  	v30 =	vld [tilespmem:s15+$0x840]  }
0xa0: {  	v60 =	vld [tilespmem:s19+$0x50];
	[tilespmem:s15+$0x4820] =	vst v26  }
0xa1: {  	[tilespmem:s17+$0x4410] =	vst v27;
	v26 =	vld.idx.msk [tilespmem:v29+s16+$0x8800], $0xffff  }
0xa2: {  	[tilespmem:s19+$0x4000] =	vst v28;
	v27 =	vld.idx.msk [tilespmem:v31+s18+$0x8800], $0xffff  }
0xa3: {  	v28 =	vld.idx.msk [tilespmem:v33+s20+$0x8800], $0xffff  }
0xa4: {  	v61 =	vld [tilespmem:s15+$0xC00]  }
0xa5: {  	v29 =	vld [tilespmem:s15+$0x850]  }
0xa6: {  	v31 =	vld [tilespmem:s17+$0x440];
	[tilespmem:s15+$0x4830] =	vst v26  }
0xa7: {  	[tilespmem:s17+$0x4420] =	vst v27;
	v26 =	vld.idx.msk [tilespmem:v30+s16+$0x8800], $0xffff  }
0xa8: {  	[tilespmem:s19+$0x4010] =	vst v28;
	v27 =	vld.idx.msk [tilespmem:v56+s18+$0x8800], $0xffff  }
0xa9: {  	v28 =	vld.idx.msk [tilespmem:v34+s20+$0x8800], $0xffff  }
0xaa: {  	v62 =	vld [tilespmem:s17+$0x470]  }
0xab: {  	v30 =	vld [tilespmem:s15+$0x860]  }
0xac: {  	v35 =	vld [tilespmem:s19+$0x60];
	[tilespmem:s15+$0x4840] =	vst v26  }
0xad: {  	[tilespmem:s17+$0x4430] =	vst v27;
	v26 =	vld.idx.msk [tilespmem:v29+s16+$0x8800], $0xffff  }
0xae: {  	[tilespmem:s19+$0x4020] =	vst v28;
	v27 =	vld.idx.msk [tilespmem:v31+s18+$0x8800], $0xffff  }
0xaf: {  	v28 =	vld.idx.msk [tilespmem:v57+s20+$0x8800], $0xffff  }
0xb0: {  	v36 =	vld [tilespmem:s15+$0xC10]  }
0xb1: {  	v29 =	vld [tilespmem:s15+$0x870]  }
0xb2: {  	v31 =	vld [tilespmem:s17+$0x460];
	[tilespmem:s15+$0x4850] =	vst v26  }
0xb3: {  	[tilespmem:s17+$0x4440] =	vst v27;
	v27 =	vld.idx.msk [tilespmem:v30+s16+$0x8800], $0xffff  }
0xb4: {  	[tilespmem:s19+$0x4030] =	vst v28;
	v28 =	vld.idx.msk [tilespmem:v58+s18+$0x8800], $0xffff  }
0xb5: {  	v30 =	vld.idx.msk [tilespmem:v59+s20+$0x8800], $0xffff  }
0xb6: {  	v37 =	vld [tilespmem:s17+$0x800]  }
0xb7: {  	v38 =	vld [tilespmem:s19+$0x70]  }
0xb8: {  	v39 =	vld [tilespmem:s15+$0xC20];
	[tilespmem:s15+$0x4860] =	vst v27  }
0xb9: {  	[tilespmem:s17+$0x4450] =	vst v28;
	v28 =	vld.idx.msk [tilespmem:v29+s16+$0x8800], $0xffff  }
0xba: {  	[tilespmem:s19+$0x4040] =	vst v30;
	v29 =	vld.idx.msk [tilespmem:v31+s18+$0x8800], $0xffff  }
0xbb: {  	v30 =	vld.idx.msk [tilespmem:v60+s20+$0x8800], $0xffff  }
0xbc: {  	v32 =	vld [tilespmem:s17+$0x820]  }
0xbd: {  	v33 =	vld [tilespmem:s19+$0x400]  }
0xbe: {  	v34 =	vld [tilespmem:s19+$0x410];
	[tilespmem:s15+$0x4870] =	vst v28  }
0xbf: {  	[tilespmem:s17+$0x4460] =	vst v29;
	v29 =	vld.idx.msk [tilespmem:v61+s16+$0x8800], $0xffff  }
0xc0: {  	[tilespmem:s19+$0x4050] =	vst v30;
	v30 =	vld.idx.msk [tilespmem:v62+s18+$0x8800], $0xffff  }
0xc1: {  	v63 =	vld.idx.msk [tilespmem:v35+s20+$0x8800], $0xffff  }
0xc2: {  	v26 =	vld [tilespmem:s15+$0xC70]  }
0xc3: {  	v27 =	vld [tilespmem:s15+$0xC60]  }
0xc4: {  	v31 =	vld [tilespmem:s17+$0x810];
	[tilespmem:s15+$0x4C00] =	vst v29  }
0xc5: {  	[tilespmem:s17+$0x4470] =	vst v30;
	v30 =	vld.idx.msk [tilespmem:v36+s16+$0x8800], $0xffff  }
0xc6: {  	[tilespmem:s19+$0x4060] =	vst v63;
	v37 =	vld.idx.msk [tilespmem:v37+s18+$0x8800], $0xffff  }
0xc7: {  	s22 =	simm.s32 $0x600;
	s23 =	simm.s32 $0x180;
	v35 =	vld.idx.msk [tilespmem:v38+s20+$0x8800], $0xffff  }
0xc8: {  	s21 =	sand.u32 $0x3000, s22;
	s24 =	sand.u32 $0x380, s23;
	v28 =	vld [tilespmem:s15+$0xC50]  }
0xc9: {  	s21 =	sor.u32 s24, s21;
	v29 =	vld [tilespmem:s15+$0xC30]  }
0xca: {  	v36 =	vld [tilespmem:s21+$0x0];
	[tilespmem:s15+$0x4C10] =	vst v30  }
0xcb: {  	s24 =	simm.s32 $0x800;
	[tilespmem:s17+$0x4800] =	vst v37;
	v30 =	vld.idx.msk [tilespmem:v39+s16+$0x8800], $0xffff  }
.LBB2_2:
0xcc: {  	p0 =	sne.s32 s24, $0x3200;
	[tilespmem:s19+$0x4070] =	vst v35;
	v31 =	vld.idx.msk [tilespmem:v31+s18+$0x8800], $0xffff  }
0xcd: {  	v33 =	vld.idx.msk [tilespmem:v33+s20+$0x8800], $0xffff  }
0xce: {  	v35 =	vld [tilespmem:s15+$0xC40]  }
0xcf: {  	v37 =	vld [tilespmem:s17+$0x830]  }
0xd0: {  	v38 =	vld [tilespmem:s19+$0x420]  }
0xd1: {  	v39 =	vld [tilespmem:s21+$0x10];
	[tilespmem:s15+$0x4C20] =	vst v30  }
0xd2: {  	[tilespmem:s17+$0x4810] =	vst v31;
	v29 =	vld.idx.msk [tilespmem:v29+s16+$0x8800], $0xffff  }
0xd3: {  	[tilespmem:s19+$0x4400] =	vst v33;
	v30 =	vld.idx.msk [tilespmem:v32+s18+$0x8800], $0xffff  }
0xd4: {  	s25 =	sshra.s32 s22, $0x2;
	s22 =	smov.u32 s24;
	v31 =	vld.idx.msk [tilespmem:v34+s20+$0x8800], $0xffff  }
0xd5: {  	v32 =	vld.idx.msk [tilespmem:v36+s25+$0x8800], $0xffff  }
0xd6: {  	v33 =	vld [tilespmem:s17+$0x840]  }
0xd7: {  	v34 =	vld [tilespmem:s19+$0x430]  }
0xd8: {  	v36 =	vld [tilespmem:s21+$0x20];
	[tilespmem:s15+$0x4C30] =	vst v29  }
0xd9: {  	[tilespmem:s17+$0x4820] =	vst v30;
	v29 =	vld.idx.msk [tilespmem:v35+s16+$0x8800], $0xffff  }
0xda: {  	[tilespmem:s19+$0x4410] =	vst v31;
	v30 =	vld.idx.msk [tilespmem:v37+s18+$0x8800], $0xffff  }
0xdb: {  	[tilespmem:s21+$0x4000] =	vst v32;
	v31 =	vld.idx.msk [tilespmem:v38+s20+$0x8800], $0xffff  }
0xdc: {  	v32 =	vld.idx.msk [tilespmem:v39+s25+$0x8800], $0xffff  }
0xdd: {  	v35 =	vld [tilespmem:s17+$0x850]  }
0xde: {  	v37 =	vld [tilespmem:s19+$0x440]  }
0xdf: {  	v38 =	vld [tilespmem:s21+$0x30];
	[tilespmem:s15+$0x4C40] =	vst v29  }
0xe0: {  	[tilespmem:s17+$0x4830] =	vst v30;
	v28 =	vld.idx.msk [tilespmem:v28+s16+$0x8800], $0xffff  }
0xe1: {  	[tilespmem:s19+$0x4420] =	vst v31;
	v29 =	vld.idx.msk [tilespmem:v33+s18+$0x8800], $0xffff  }
0xe2: {  	[tilespmem:s21+$0x4010] =	vst v32;
	v30 =	vld.idx.msk [tilespmem:v34+s20+$0x8800], $0xffff  }
0xe3: {  	v31 =	vld.idx.msk [tilespmem:v36+s25+$0x8800], $0xffff  }
0xe4: {  	v32 =	vld [tilespmem:s17+$0x860]  }
0xe5: {  	v33 =	vld [tilespmem:s19+$0x450]  }
0xe6: {  	v34 =	vld [tilespmem:s21+$0x40];
	[tilespmem:s15+$0x4C50] =	vst v28  }
0xe7: {  	[tilespmem:s17+$0x4840] =	vst v29;
	v27 =	vld.idx.msk [tilespmem:v27+s16+$0x8800], $0xffff  }
0xe8: {  	[tilespmem:s19+$0x4430] =	vst v30;
	v28 =	vld.idx.msk [tilespmem:v35+s18+$0x8800], $0xffff  }
0xe9: {  	[tilespmem:s21+$0x4020] =	vst v31;
	v29 =	vld.idx.msk [tilespmem:v37+s20+$0x8800], $0xffff  }
0xea: {  	v30 =	vld.idx.msk [tilespmem:v38+s25+$0x8800], $0xffff  }
0xeb: {  	v31 =	vld [tilespmem:s17+$0x870]  }
0xec: {  	v35 =	vld [tilespmem:s19+$0x460]  }
0xed: {  	v36 =	vld [tilespmem:s21+$0x50];
	[tilespmem:s15+$0x4C60] =	vst v27  }
0xee: {  	[tilespmem:s17+$0x4850] =	vst v28;
	v27 =	vld.idx.msk [tilespmem:v26+s16+$0x8800], $0xffff;
	s16 =	smov.u32 s18;
	s18 =	smov.u32 s20;
	s20 =	smov.u32 s25  }
0xef: {  	[tilespmem:s19+$0x4440] =	vst v29;
	v28 =	vld.idx.msk [tilespmem:v32+s16+$0x8800], $0xffff  }
0xf0: {  	[tilespmem:s21+$0x4030] =	vst v30;
	v29 =	vld.idx.msk [tilespmem:v33+s18+$0x8800], $0xffff  }
0xf1: {  	v30 =	vld.idx.msk [tilespmem:v34+s20+$0x8800], $0xffff  }
0xf2: {  	v26 =	vld [tilespmem:s17+$0xC70]  }
0xf3: {  	v32 =	vld [tilespmem:s17+$0xC00]  }
0xf4: {  	v33 =	vld [tilespmem:s19+$0x470];
	[tilespmem:s15+$0x4C70] =	vst v27;
	s15 =	smov.u32 s17;
	s17 =	smov.u32 s19;
	s19 =	smov.u32 s21  }
0xf5: {  	v34 =	vld [tilespmem:s19+$0x60];
	[tilespmem:s15+$0x4860] =	vst v28  }
0xf6: {  	[tilespmem:s17+$0x4450] =	vst v29;
	v28 =	vld.idx.msk [tilespmem:v31+s16+$0x8800], $0xffff  }
0xf7: {  	[tilespmem:s19+$0x4040] =	vst v30;
	v29 =	vld.idx.msk [tilespmem:v35+s18+$0x8800], $0xffff  }
0xf8: {  	v30 =	vld.idx.msk [tilespmem:v36+s20+$0x8800], $0xffff  }
0xf9: {  	v27 =	vld [tilespmem:s15+$0xC60]  }
0xfa: {  	v35 =	vld [tilespmem:s15+$0xC10]  }
0xfb: {  	v36 =	vld [tilespmem:s17+$0x800]  }
0xfc: {  	v37 =	vld [tilespmem:s19+$0x70];
	[tilespmem:s15+$0x4870] =	vst v28  }
0xfd: {  	[tilespmem:s17+$0x4460] =	vst v29;
	v29 =	vld.idx.msk [tilespmem:v32+s16+$0x8800], $0xffff  }
0xfe: {  	[tilespmem:s19+$0x4050] =	vst v30;
	v30 =	vld.idx.msk [tilespmem:v33+s18+$0x8800], $0xffff  }
0xff: {  	v32 =	vld.idx.msk [tilespmem:v34+s20+$0x8800], $0xffff  }
0x100: {  	v28 =	vld [tilespmem:s15+$0xC50]  }
0x101: {  	v38 =	vld [tilespmem:s15+$0xC20]  }
0x102: {  	v31 =	vld [tilespmem:s17+$0x810]  }
0x103: {  	v33 =	vld [tilespmem:s19+$0x400];
	[tilespmem:s15+$0x4C00] =	vst v29  }
0x104: {  	[tilespmem:s17+$0x4470] =	vst v30;
	v30 =	vld.idx.msk [tilespmem:v35+s16+$0x8800], $0xffff  }
0x105: {  	[tilespmem:s19+$0x4060] =	vst v32;
	v39 =	vld.idx.msk [tilespmem:v36+s18+$0x8800], $0xffff  }
0x106: {  	v35 =	vld.idx.msk [tilespmem:v37+s20+$0x8800], $0xffff  }
.Ltmp0:
0x107: {  	s23 =	sadd.s32 $0x80, s23;
	v29 =	vld [tilespmem:s15+$0xC30];
	(pc) =	sbr.rel @p0 .LBB2_2-.Ltmp0, $4  }
0x108: {  	s25 =	sand.u32 $0x380, s23;
	s21 =	sand.u32 $0x3000, s24;
	v32 =	vld [tilespmem:s17+$0x820]  }
0x109: {  	s21 =	sor.u32 s25, s21;
	v34 =	vld [tilespmem:s19+$0x410]  }
0x10a: {  	v36 =	vld [tilespmem:s21+$0x0];
	[tilespmem:s15+$0x4C10] =	vst v30  }
0x10b: {  	s24 =	sadd.s32 $0x200, s24;
	[tilespmem:s17+$0x4800] =	vst v39;
	v30 =	vld.idx.msk [tilespmem:v38+s16+$0x8800], $0xffff  }
0x10c: {  	_ =	sdelay $0x4  }
0x10d: {  	v37 =	vld [tilespmem:s21+$0x10]  }
0x10e: {  	s22 =	sshra.s32 s22, $0x2  }
0x10f: {  	v36 =	vld.idx.msk [tilespmem:v36+s22+$0x8800], $0xffff;
	_ =	sdelay $0x3  }
0x110: {  	v38 =	vld [tilespmem:s21+$0x20]  }
0x111: {  	[tilespmem:s21+$0x4000] =	vst v36  }
0x112: {  	v36 =	vld.idx.msk [tilespmem:v37+s22+$0x8800], $0xffff;
	_ =	sdelay $0x3  }
0x113: {  	v63 =	vld [tilespmem:s21+$0x30]  }
0x114: {  	[tilespmem:s21+$0x4010] =	vst v36  }
0x115: {  	v36 =	vld.idx.msk [tilespmem:v38+s22+$0x8800], $0xffff;
	_ =	sdelay $0x3  }
0x116: {  	v40 =	vld [tilespmem:s21+$0x40]  }
0x117: {  	[tilespmem:s21+$0x4020] =	vst v36  }
0x118: {  	v36 =	vld.idx.msk [tilespmem:v63+s22+$0x8800], $0xffff;
	_ =	sdelay $0x3  }
0x119: {  	v41 =	vld [tilespmem:s21+$0x50]  }
0x11a: {  	[tilespmem:s21+$0x4030] =	vst v36  }
0x11b: {  	v36 =	vld.idx.msk [tilespmem:v40+s22+$0x8800], $0xffff;
	_ =	sdelay $0x3  }
0x11c: {  	v42 =	vld [tilespmem:s21+$0x60]  }
0x11d: {  	[tilespmem:s21+$0x4040] =	vst v36  }
0x11e: {  	v36 =	vld.idx.msk [tilespmem:v41+s22+$0x8800], $0xffff;
	_ =	sdelay $0x3  }
0x11f: {  	v43 =	vld [tilespmem:s21+$0x70]  }
0x120: {  	[tilespmem:s21+$0x4050] =	vst v36  }
0x121: {  	v36 =	vld.idx.msk [tilespmem:v42+s22+$0x8800], $0xffff;
	_ =	sdelay $0x3  }
0x122: {  	v44 =	vld [tilespmem:s21+$0x400]  }
0x123: {  	[tilespmem:s21+$0x4060] =	vst v36  }
0x124: {  	v36 =	vld.idx.msk [tilespmem:v43+s22+$0x8800], $0xffff;
	_ =	sdelay $0x3  }
0x125: {  	[tilespmem:s19+$0x4070] =	vst v35;
	v45 =	vld [tilespmem:s21+$0x410]  }
0x126: {  	v33 =	vld.idx.msk [tilespmem:v33+s20+$0x8800], $0xffff;
	[tilespmem:s21+$0x4070] =	vst v36  }
0x127: {  	v36 =	vld.idx.msk [tilespmem:v44+s22+$0x8800], $0xffff;
	_ =	sdelay $0x2  }
0x128: {  	v46 =	vld [tilespmem:s19+$0x420]  }
0x129: {  	v47 =	vld [tilespmem:s21+$0x420];
	[tilespmem:s19+$0x4400] =	vst v33  }
0x12a: {  	v34 =	vld.idx.msk [tilespmem:v34+s20+$0x8800], $0xffff;
	[tilespmem:s21+$0x4400] =	vst v36  }
0x12b: {  	v35 =	vld.idx.msk [tilespmem:v45+s22+$0x8800], $0xffff;
	_ =	sdelay $0x2  }
0x12c: {  	v48 =	vld [tilespmem:s19+$0x430]  }
0x12d: {  	v49 =	vld [tilespmem:s21+$0x430];
	[tilespmem:s19+$0x4410] =	vst v34  }
0x12e: {  	v37 =	vld.idx.msk [tilespmem:v46+s20+$0x8800], $0xffff;
	[tilespmem:s21+$0x4410] =	vst v35  }
0x12f: {  	v33 =	vld.idx.msk [tilespmem:v47+s22+$0x8800], $0xffff;
	_ =	sdelay $0x2  }
0x130: {  	v51 =	vld [tilespmem:s19+$0x440]  }
0x131: {  	v52 =	vld [tilespmem:s21+$0x440];
	[tilespmem:s19+$0x4420] =	vst v37  }
0x132: {  	v36 =	vld.idx.msk [tilespmem:v48+s20+$0x8800], $0xffff;
	[tilespmem:s21+$0x4420] =	vst v33  }
0x133: {  	v53 =	vld.idx.msk [tilespmem:v49+s22+$0x8800], $0xffff  }
0x134: {  	v31 =	vld.idx.msk [tilespmem:v31+s18+$0x8800], $0xffff;
	_ =	sdelay $0x1  }
0x135: {  	v55 =	vld [tilespmem:s19+$0x450]  }
0x136: {  	v56 =	vld [tilespmem:s21+$0x450];
	[tilespmem:s19+$0x4430] =	vst v36  }
0x137: {  	v38 =	vld.idx.msk [tilespmem:v51+s20+$0x8800], $0xffff;
	[tilespmem:s21+$0x4430] =	vst v53  }
0x138: {  	[tilespmem:s17+$0x4810] =	vst v31;
	v31 =	vld.idx.msk [tilespmem:v52+s22+$0x8800], $0xffff;
	_ =	sdelay $0x2  }
0x139: {  	v58 =	vld [tilespmem:s19+$0x460]  }
0x13a: {  	v59 =	vld [tilespmem:s21+$0x460];
	[tilespmem:s19+$0x4440] =	vst v38  }
0x13b: {  	v34 =	vld.idx.msk [tilespmem:v55+s20+$0x8800], $0xffff;
	[tilespmem:s21+$0x4440] =	vst v31  }
0x13c: {  	v31 =	vld.idx.msk [tilespmem:v56+s22+$0x8800], $0xffff;
	_ =	sdelay $0x2  }
0x13d: {  	v61 =	vld [tilespmem:s19+$0x470]  }
0x13e: {  	v62 =	vld [tilespmem:s21+$0x470];
	[tilespmem:s19+$0x4450] =	vst v34  }
0x13f: {  	v37 =	vld.idx.msk [tilespmem:v58+s20+$0x8800], $0xffff;
	[tilespmem:s21+$0x4450] =	vst v31  }
0x140: {  	v31 =	vld.idx.msk [tilespmem:v59+s22+$0x8800], $0xffff;
	_ =	sdelay $0x1  }
0x141: {  	v50 =	vld [tilespmem:s17+$0x830]  }
0x142: {  	v40 =	vld [tilespmem:s19+$0x800]  }
0x143: {  	v41 =	vld [tilespmem:s21+$0x800];
	[tilespmem:s19+$0x4460] =	vst v37  }
0x144: {  	v36 =	vld.idx.msk [tilespmem:v61+s20+$0x8800], $0xffff;
	[tilespmem:s21+$0x4460] =	vst v31  }
0x145: {  	v31 =	vld.idx.msk [tilespmem:v62+s22+$0x8800], $0xffff  }
0x146: {  	v54 =	vld [tilespmem:s17+$0x840]  }
0x147: {  	v57 =	vld [tilespmem:s17+$0x850]  }
0x148: {  	v42 =	vld [tilespmem:s19+$0x810]  }
0x149: {  	v43 =	vld [tilespmem:s21+$0x810];
	[tilespmem:s19+$0x4470] =	vst v36  }
0x14a: {  	v36 =	vld.idx.msk [tilespmem:v40+s20+$0x8800], $0xffff;
	[tilespmem:s21+$0x4470] =	vst v31  }
0x14b: {  	v31 =	vld.idx.msk [tilespmem:v41+s22+$0x8800], $0xffff  }
0x14c: {  	v60 =	vld [tilespmem:s17+$0x860]  }
0x14d: {  	v32 =	vld.idx.msk [tilespmem:v32+s18+$0x8800], $0xffff  }
0x14e: {  	v39 =	vld [tilespmem:s19+$0x820]  }
0x14f: {  	v45 =	vld [tilespmem:s21+$0x820];
	[tilespmem:s19+$0x4800] =	vst v36  }
0x150: {  	v33 =	vld.idx.msk [tilespmem:v42+s20+$0x8800], $0xffff;
	[tilespmem:s21+$0x4800] =	vst v31  }
0x151: {  	[tilespmem:s15+$0x4C20] =	vst v30;
	v31 =	vld.idx.msk [tilespmem:v43+s22+$0x8800], $0xffff  }
0x152: {  	v29 =	vld.idx.msk [tilespmem:v29+s16+$0x8800], $0xffff;
	[tilespmem:s17+$0x4820] =	vst v32  }
0x153: {  	v32 =	vld.idx.msk [tilespmem:v50+s18+$0x8800], $0xffff  }
0x154: {  	v46 =	vld [tilespmem:s19+$0x830]  }
0x155: {  	v47 =	vld [tilespmem:s21+$0x830];
	[tilespmem:s19+$0x4810] =	vst v33  }
0x156: {  	v48 =	vld.idx.msk [tilespmem:v39+s20+$0x8800], $0xffff;
	[tilespmem:s21+$0x4810] =	vst v31  }
0x157: {  	v31 =	vld.idx.msk [tilespmem:v45+s22+$0x8800], $0xffff  }
0x158: {  	v50 =	vld [tilespmem:s21+$0x840];
	[tilespmem:s17+$0x4830] =	vst v32  }
0x159: {  	v32 =	vld.idx.msk [tilespmem:v54+s18+$0x8800], $0xffff  }
0x15a: {  	v40 =	vld [tilespmem:s19+$0x840]  }
0x15b: {  	v54 =	vld [tilespmem:s17+$0xC30];
	[tilespmem:s19+$0x4820] =	vst v48  }
0x15c: {  	v34 =	vld.idx.msk [tilespmem:v46+s20+$0x8800], $0xffff;
	[tilespmem:s21+$0x4820] =	vst v31  }
0x15d: {  	v31 =	vld.idx.msk [tilespmem:v47+s22+$0x8800], $0xffff  }
0x15e: {  	v63 =	vld [tilespmem:s17+$0x870];
	[tilespmem:s17+$0x4840] =	vst v32  }
0x15f: {  	v32 =	vld.idx.msk [tilespmem:v57+s18+$0x8800], $0xffff  }
0x160: {  	v51 =	vld [tilespmem:s19+$0x850]  }
0x161: {  	v52 =	vld [tilespmem:s21+$0x850];
	[tilespmem:s19+$0x4830] =	vst v34  }
0x162: {  	v40 =	vld.idx.msk [tilespmem:v40+s20+$0x8800], $0xffff;
	[tilespmem:s21+$0x4830] =	vst v31  }
0x163: {  	v31 =	vld.idx.msk [tilespmem:v50+s22+$0x8800], $0xffff  }
0x164: {  	v57 =	vld [tilespmem:s21+$0xC00];
	[tilespmem:s17+$0x4850] =	vst v32  }
0x165: {  	v32 =	vld.idx.msk [tilespmem:v60+s18+$0x8800], $0xffff  }
0x166: {  	v42 =	vld [tilespmem:s19+$0x860]  }
0x167: {  	v53 =	vld [tilespmem:s21+$0x860];
	[tilespmem:s19+$0x4840] =	vst v40  }
0x168: {  	v38 =	vld.idx.msk [tilespmem:v51+s20+$0x8800], $0xffff;
	[tilespmem:s21+$0x4840] =	vst v31  }
0x169: {  	v31 =	vld.idx.msk [tilespmem:v52+s22+$0x8800], $0xffff  }
0x16a: {  	v60 =	vld [tilespmem:s21+$0xC20]  }
0x16b: {  	v44 =	vld [tilespmem:s17+$0xC00]  }
0x16c: {  	v55 =	vld [tilespmem:s19+$0x870]  }
0x16d: {  	v56 =	vld [tilespmem:s21+$0x870];
	[tilespmem:s19+$0x4850] =	vst v38  }
0x16e: {  	v42 =	vld.idx.msk [tilespmem:v42+s20+$0x8800], $0xffff;
	[tilespmem:s21+$0x4850] =	vst v31  }
0x16f: {  	[tilespmem:s17+$0x4860] =	vst v32;
	v31 =	vld.idx.msk [tilespmem:v53+s22+$0x8800], $0xffff  }
0x170: {  	v32 =	vld.idx.msk [tilespmem:v63+s18+$0x8800], $0xffff  }
0x171: {  	v63 =	vld [tilespmem:s21+$0xC30]  }
0x172: {  	v43 =	vld [tilespmem:s19+$0xC00]  }
0x173: {  	v49 =	vld [tilespmem:s17+$0xC10];
	[tilespmem:s19+$0x4860] =	vst v42  }
0x174: {  	v39 =	vld.idx.msk [tilespmem:v55+s20+$0x8800], $0xffff;
	[tilespmem:s21+$0x4860] =	vst v31  }
0x175: {  	[tilespmem:s17+$0x4870] =	vst v32;
	v31 =	vld.idx.msk [tilespmem:v56+s22+$0x8800], $0xffff  }
0x176: {  	v32 =	vld.idx.msk [tilespmem:v44+s18+$0x8800], $0xffff  }
0x177: {  	v58 =	vld [tilespmem:s21+$0xC10]  }
0x178: {  	v45 =	vld [tilespmem:s19+$0xC10]  }
0x179: {  	v41 =	vld [tilespmem:s17+$0xC20];
	[tilespmem:s19+$0x4870] =	vst v39  }
0x17a: {  	v43 =	vld.idx.msk [tilespmem:v43+s20+$0x8800], $0xffff;
	[tilespmem:s21+$0x4870] =	vst v31  }
0x17b: {  	v31 =	vld.idx.msk [tilespmem:v57+s22+$0x8800], $0xffff  }
0x17c: {  	v44 =	vld [tilespmem:s21+$0xC70];
	[tilespmem:s17+$0x4C00] =	vst v32  }
0x17d: {  	v32 =	vld.idx.msk [tilespmem:v49+s18+$0x8800], $0xffff  }
0x17e: {  	v47 =	vld [tilespmem:s19+$0xC20]  }
0x17f: {  	v35 =	vld [tilespmem:s17+$0xC50];
	[tilespmem:s19+$0x4C00] =	vst v43  }
0x180: {  	v45 =	vld.idx.msk [tilespmem:v45+s20+$0x8800], $0xffff;
	[tilespmem:s21+$0x4C00] =	vst v31  }
0x181: {  	v31 =	vld.idx.msk [tilespmem:v58+s22+$0x8800], $0xffff  }
0x182: {  	v61 =	vld [tilespmem:s17+$0xC40];
	[tilespmem:s17+$0x4C10] =	vst v32  }
0x183: {  	v32 =	vld.idx.msk [tilespmem:v41+s18+$0x8800], $0xffff  }
0x184: {  	v62 =	vld [tilespmem:s19+$0xC30]  }
0x185: {  	v33 =	vld [tilespmem:s15+$0xC40];
	[tilespmem:s19+$0x4C10] =	vst v45  }
0x186: {  	v49 =	vld.idx.msk [tilespmem:v47+s20+$0x8800], $0xffff;
	[tilespmem:s21+$0x4C10] =	vst v31  }
0x187: {  	v50 =	vld.idx.msk [tilespmem:v60+s22+$0x8800], $0xffff  }
0x188: {  	v59 =	vld [tilespmem:s19+$0xC50];
	[tilespmem:s17+$0x4C20] =	vst v32  }
0x189: {  	v32 =	vld.idx.msk [tilespmem:v54+s18+$0x8800], $0xffff  }
0x18a: {  	v51 =	vld [tilespmem:s19+$0xC40]  }
0x18b: {  	v52 =	vld [tilespmem:s21+$0xC40];
	[tilespmem:s19+$0x4C20] =	vst v49  }
0x18c: {  	v53 =	vld.idx.msk [tilespmem:v62+s20+$0x8800], $0xffff;
	[tilespmem:s21+$0x4C20] =	vst v50  }
0x18d: {  	v54 =	vld.idx.msk [tilespmem:v63+s22+$0x8800], $0xffff  }
0x18e: {  	[tilespmem:s15+$0x4C30] =	vst v29;
	v36 =	vld [tilespmem:s17+$0xC60]  }
0x18f: {  	v29 =	vld.idx.msk [tilespmem:v33+s16+$0x8800], $0xffff  }
0x190: {  	v48 =	vld [tilespmem:s21+$0xC50];
	[tilespmem:s17+$0x4C30] =	vst v32  }
0x191: {  	v55 =	vld.idx.msk [tilespmem:v61+s18+$0x8800], $0xffff;
	[tilespmem:s19+$0x4C30] =	vst v53  }
0x192: {  	v56 =	vld.idx.msk [tilespmem:v51+s20+$0x8800], $0xffff;
	[tilespmem:s21+$0x4C30] =	vst v54  }
0x193: {  	v31 =	vld.idx.msk [tilespmem:v52+s22+$0x8800], $0xffff  }
0x194: {  	v46 =	vld [tilespmem:s21+$0xC60];
	[tilespmem:s15+$0x4C40] =	vst v29  }
0x195: {  	v28 =	vld.idx.msk [tilespmem:v28+s16+$0x8800], $0xffff  }
0x196: {  	v38 =	vld [tilespmem:s19+$0xC60];
	[tilespmem:s17+$0x4C40] =	vst v55  }
0x197: {  	v57 =	vld.idx.msk [tilespmem:v35+s18+$0x8800], $0xffff;
	[tilespmem:s19+$0x4C40] =	vst v56  }
0x198: {  	v58 =	vld.idx.msk [tilespmem:v59+s20+$0x8800], $0xffff;
	[tilespmem:s21+$0x4C40] =	vst v31  }
0x199: {  	v31 =	vld.idx.msk [tilespmem:v48+s22+$0x8800], $0xffff  }
0x19a: {  	v37 =	vld [tilespmem:s17+$0xC70]  }
0x19b: {  	v40 =	vld [tilespmem:s19+$0xC70];
	[tilespmem:s15+$0x4C50] =	vst v28  }
0x19c: {  	v27 =	vld.idx.msk [tilespmem:v27+s16+$0x8800], $0xffff;
	[tilespmem:s17+$0x4C50] =	vst v57  }
0x19d: {  	v59 =	vld.idx.msk [tilespmem:v36+s18+$0x8800], $0xffff;
	[tilespmem:s19+$0x4C50] =	vst v58  }
0x19e: {  	v60 =	vld.idx.msk [tilespmem:v38+s20+$0x8800], $0xffff;
	[tilespmem:s21+$0x4C50] =	vst v31  }
0x19f: {  	v61 =	vld.idx.msk [tilespmem:v46+s22+$0x8800], $0xffff;
	_ =	sdelay $0x1  }
0x1a0: {  	[tilespmem:s15+$0x4C60] =	vst v27  }
0x1a1: {  	v26 =	vld.idx.msk [tilespmem:v26+s16+$0x8800], $0xffff;
	[tilespmem:s17+$0x4C60] =	vst v59  }
0x1a2: {  	v27 =	vld.idx.msk [tilespmem:v37+s18+$0x8800], $0xffff;
	[tilespmem:s19+$0x4C60] =	vst v60  }
0x1a3: {  	v62 =	vld.idx.msk [tilespmem:v40+s20+$0x8800], $0xffff;
	[tilespmem:s21+$0x4C60] =	vst v61  }
0x1a4: {  	v63 =	vld.idx.msk [tilespmem:v44+s22+$0x8800], $0xffff;
	_ =	sdelay $0x1  }
0x1a5: {  	[tilespmem:s15+$0x4C70] =	vst v26  }
0x1a6: {  	[tilespmem:s17+$0x4C70] =	vst v27  }
0x1a7: {  	[tilespmem:s19+$0x4C70] =	vst v62  }
0x1a8: {  	[tilespmem:s21+$0x4C70] =	vst v63  }
0x1a9: {  	s14 =	sadd.s32 $0x1, s14;
	_ =	strace $0x9000004B  }
0x1aa: {  	p0 =	sne.s32 s14, s6;
	_ =	strace $0x8000004C  }
0x1ab: {  	[hbm4b:s5+s8] =	stream.strided.scatter [tilespmem:s12], [sflag:$0x3], $0x4000, s9, s8, $0x200038;
	[tilespmem:$0x9800] =	vst v63  }
.Ltmp1:
0x1ac: {  	_ = 	snop;
	(pc) =	sbr.rel @p0 .LBB2_1-.Ltmp1, $4  }
0x1ad: {  	_ =	swait.ge [sflag:s13], $0x4000  }
0x1ae: {  	[sflag:s13] =	ssyncset.done $0x0  }
0x1af: {  	[sflag:s13] =	ssyncadd.s32 $0xFFFFC000  }
0x1b0: {  	_ =	strace $0x9000004C  }
0x1b1: {  	_ =	sfence.sel $0x180000  }
0x1b2: {  	[bflag:$0x0] =	sbarrier.arrive $0xFFFF  }
0x1b3: {  	p0 =	sne.s32 s3, $0x0;
	_ =	strace $0x90000047  }
0x1b4: {  	s0 =	sadd.s32 @!p0 $0x100000, s0;
	[bflag:$0x2] =	sbarrier.arrive $0xFFFF  }
0x1b5: {  	[sflag:s0] =	ssyncadd.tile.s32 @!p0 $0x1;
	_ =	shalt  }
.Lfunc_end2:
_tile_overlayer_lowered:
.L_overlay_start_2:
0x1b6: {  	(tag) =	ssettag $0x2  }
0x1b7: {  	s0 =	rddreg [dreg:$0x0];
	s2 =	stileid.u32  }
0x1b8: {  	s1 =	rddreg [dreg:$0x1];
	p0 =	sne.s32 s2, $0x0  }
0x1b9: {  	s3 =	rddreg [dreg:$0x2];
	[bflag:$0x3] =	sbarrier.arrive $0xFFFF;
	s2 =	simm.s32 @!p0 $0x1C03  }
0x1ba: {  	[timem:s3], [sflag:s2] =	dma.local @!p0 [hbm:s0], s1  }
0x1bb: {  	s0 =	simm.s32 @!p0 $0x3  }
0x1bc: {  	_ =	swait.ge @!p0 [sflag:s0], s1  }
0x1bd: {  	s1 =	ssub.s32 @!p0 $0x0, s1;
	[sflag:s0] =	ssyncset.done @!p0 $0x0  }
0x1be: {  	[sflag:s0] =	ssyncadd.s32 @!p0 s1  }
0x1bf: {  	[bflag:$0x3] =	sbarrier.arrive $0xFFFF  }
0x1c0: {  	_ =	shalt  }

</sc_bundles>
